<compile_context>
chip_gen: v7x
topology: tpu7x:2x2x1
jax: 0.10.2.dev20260603
libtpu: 0.0.44.dev20260713+nightly
codegen_flags: <defaults>
</compile_context>

<pallas_src>
import functools

import jax
import jax.numpy as jnp
from jax import lax
from jax.experimental import pallas as pl
from jax.experimental.pallas import tpu as pltpu
from jax.experimental.pallas import tpu_sc as plsc

N = 10000
E = 160000
D = 256
H = 256
C = 40

N_PAD = 10240
NCORE = 2
NSUB = 16
NW = NCORE * NSUB
CHUNK = 256
NCHUNK = 20
RPS = N_PAD // NSUB

_f32 = jnp.float32



def _sc_mesh():
    return plsc.VectorSubcoreMesh(core_axis_name="c", subcore_axis_name="s")


@functools.partial(
    pl.kernel,
    out_type=jax.ShapeDtypeStruct((NCORE, N_PAD, 16), _f32),
    mesh=_sc_mesh(),
    compiler_params=pltpu.CompilerParams(use_tc_tiling_on_sc=False),
    scratch_types=[
        pltpu.VMEM((NCHUNK, CHUNK), jnp.int32),
        pltpu.VMEM((CHUNK, 16), _f32),
        pltpu.VMEM_SHARED((N_PAD, 16), _f32),
    ],
)
def _deg_kernel(dst_hbm, ones_hbm, zero_hbm, acc_hbm, dst_v, ones_v, acc_sh):
    c = lax.axis_index("c")
    s = lax.axis_index("s")
    w = c * NSUB + s
    pltpu.sync_copy(dst_hbm.at[w], dst_v)
    pltpu.sync_copy(ones_hbm, ones_v)
    pltpu.sync_copy(zero_hbm, acc_sh.at[pl.ds(s * RPS, RPS)])
    plsc.subcore_barrier()

    def body(j, carry):
        pltpu.sync_copy(ones_v, acc_sh.at[dst_v.at[j]], add=True)
        return carry

    lax.fori_loop(0, NCHUNK, body, 0)
    plsc.subcore_barrier()
    pltpu.sync_copy(acc_sh.at[pl.ds(s * RPS, RPS)],
                    acc_hbm.at[c, pl.ds(s * RPS, RPS)])


def _make_hop(width):
    @functools.partial(
        pl.kernel,
        out_type=jax.ShapeDtypeStruct((NCORE, N_PAD, width), _f32),
        mesh=_sc_mesh(),
        compiler_params=pltpu.CompilerParams(use_tc_tiling_on_sc=False),
        scratch_types=[
            pltpu.VMEM((NCHUNK, CHUNK), jnp.int32),
            pltpu.VMEM((NCHUNK, CHUNK), jnp.int32),
            pltpu.VMEM((CHUNK, width), _f32),
            pltpu.VMEM_SHARED((N_PAD, width), _f32),
            pltpu.SemaphoreType.DMA,
        ],
    )
    def hop(zs_hbm, src_hbm, dst_hbm, zero_hbm, acc_hbm,
            src_v, dst_v, gbuf, acc_sh, sem):
        c = lax.axis_index("c")
        s = lax.axis_index("s")
        w = c * NSUB + s
        pltpu.sync_copy(src_hbm.at[w], src_v)
        pltpu.sync_copy(dst_hbm.at[w], dst_v)
        pltpu.sync_copy(zero_hbm, acc_sh.at[pl.ds(s * RPS, RPS)])
        plsc.subcore_barrier()

        def body(g, carry):
            pltpu.async_copy(zs_hbm.at[src_v.at[g]], gbuf, sem).wait()
            pltpu.sync_copy(gbuf, acc_sh.at[dst_v.at[g]], add=True)
            return carry

        lax.fori_loop(0, NCHUNK, body, 0)
        plsc.subcore_barrier()
        pltpu.sync_copy(acc_sh.at[pl.ds(s * RPS, RPS)],
                        acc_hbm.at[c, pl.ds(s * RPS, RPS)])

    return hop


_hop96 = _make_hop(96)
_hop48 = _make_hop(48)



_BLK = 512


def _dense_body(x_ref, w11, w12, w13, w21, w22, w23, w31, w32, w33,
                b11, b12, b13, b21, b22, b23, b31, b32, b33,
                w1_ref, g2_ref, g3_ref, d0_ref, d1_ref,
                zs0a_ref, zs0b_ref, u1a_ref, u1b_ref, u2a_ref, u2b_ref,
                u30_ref, y1_ref, dinv_ref):
    xb = x_ref[...]
    w1b = [w1_ref[0:H, :], w1_ref[H:2 * H, :], w1_ref[2 * H:3 * H, :]]

    def t(wr, br, j):
        h = jnp.maximum(
            jnp.dot(xb, wr[...], preferred_element_type=_f32) + br[...], 0.0)
        return jnp.dot(h, w1b[j], preferred_element_type=_f32)

    t1 = [t(w11, b11, 0), t(w12, b12, 1), t(w13, b13, 2)]
    t2 = [t(w21, b21, 0), t(w22, b22, 1), t(w23, b23, 2)]
    t3 = [t(w31, b31, 0), t(w32, b32, 1), t(w33, b33, 2)]

    u2 = [g2_ref[0, k] * t2[0] + g2_ref[1, k] * t2[1] + g2_ref[2, k] * t2[2]
          for k in range(3)]
    u3 = [g3_ref[0, k] * t3[0] + g3_ref[1, k] * t3[1] + g3_ref[2, k] * t3[2]
          for k in range(4)]
    y1 = t1[0] + t1[1] + t1[2]

    deg = d0_ref[:, 0:1] + d1_ref[:, 0:1] + 1.0
    dinv = lax.rsqrt(deg)
    pad8 = jnp.zeros((xb.shape[0], 8), _f32)

    def p48(a):
        return jnp.concatenate([a, pad8], axis=1)

    dinv48 = jnp.broadcast_to(dinv, (xb.shape[0], 48))
    zs0a_ref[...] = p48(u2[2]) * dinv48
    zs0b_ref[...] = p48(u3[3]) * dinv48
    u1a_ref[...] = p48(u2[1])
    u1b_ref[...] = p48(u3[2])
    u2a_ref[...] = p48(u2[0])
    u2b_ref[...] = p48(u3[1])
    u30_ref[...] = p48(u3[0])
    y1_ref[...] = p48(y1)
    dinv_ref[...] = dinv48


def _dense_call(x_p, Ws, bs, W1, g2, g3, deg0, deg1):
    grid = (N_PAD // _BLK,)
    full = lambda shape: pl.BlockSpec(shape, lambda i: (0, 0))
    blk = lambda wdt: pl.BlockSpec((_BLK, wdt), lambda i: (i, 0))
    in_specs = (
        [blk(D)]
        + [full((D, H))] * 9
        + [full((1, H))] * 9
        + [full((3 * H, C))]
        + [pl.BlockSpec(memory_space=pltpu.SMEM)] * 2
        + [blk(16), blk(16)]
    )
    out_specs = [blk(48)] * 9
    out_shape = [jax.ShapeDtypeStruct((N_PAD, 48), _f32)] * 9
    return pl.pallas_call(
        _dense_body, grid=grid, in_specs=in_specs, out_specs=out_specs,
        out_shape=out_shape,
    )(x_p, *Ws, *[b.reshape(1, H) for b in bs], W1, g2, g3, deg0, deg1)


_BLK2 = 1024


def _comb1_body(ua_ref, ub_ref, a0a_ref, a1a_ref, a0b_ref, a1b_ref,
                zsa_ref, zsb_ref, dinv_ref, outa_ref, outb_ref):
    dinv = dinv_ref[...]
    za = ua_ref[...] + dinv * (a0a_ref[...] + a1a_ref[...] + zsa_ref[...])
    zb = ub_ref[...] + dinv * (a0b_ref[...] + a1b_ref[...] + zsb_ref[...])
    outa_ref[...] = za * dinv
    outb_ref[...] = zb * dinv


def _comb2_body(ua_ref, ub_ref, a0a_ref, a1a_ref, a0b_ref, a1b_ref,
                zsa_ref, zsb_ref, dinv_ref, r2_ref, zs3_ref):
    dinv = dinv_ref[...]
    za = ua_ref[...] + dinv * (a0a_ref[...] + a1a_ref[...] + zsa_ref[...])
    zb = ub_ref[...] + dinv * (a0b_ref[...] + a1b_ref[...] + zsb_ref[...])
    r2_ref[...] = za
    zs3_ref[...] = zb * dinv


def _comb(body, UA, UB, acc, zsA, zsB, dinv48):
    grid = (N_PAD // _BLK2,)
    blk = pl.BlockSpec((_BLK2, 48), lambda i: (i, 0))
    return pl.pallas_call(
        body, grid=grid,
        in_specs=[blk] * 9,
        out_specs=[blk, blk],
        out_shape=[jax.ShapeDtypeStruct((N_PAD, 48), _f32),
                   jax.ShapeDtypeStruct((N_PAD, 48), _f32)],
    )(UA, UB, acc[0, :, 0:48], acc[1, :, 0:48], acc[0, :, 48:96],
      acc[1, :, 48:96], zsA, zsB, dinv48)


_BLKF = 1000


def _final_body(y1_ref, r2_ref, u30_ref, a0_ref, a1_ref, zs3_ref, dinv_ref,
                b1_ref, out_ref):
    acc = (a0_ref[...] + a1_ref[...] + zs3_ref[...])[:, 0:C]
    v = (y1_ref[:, 0:C] + r2_ref[:, 0:C] + u30_ref[:, 0:C]
         + dinv_ref[:, 0:C] * acc + b1_ref[...])
    m = jnp.max(v, axis=1, keepdims=True)
    ex = jnp.exp(v - m)
    lse = jnp.log(jnp.sum(ex, axis=1, keepdims=True))
    out_ref[...] = v - m - lse


def _final(y1, r2, u30, a0, a1, zs3, dinv48, b1):
    grid = (N // _BLKF,)
    blk = lambda wdt: pl.BlockSpec((_BLKF, wdt), lambda i: (i, 0))
    return pl.pallas_call(
        _final_body, grid=grid,
        in_specs=[blk(48), blk(48), blk(48), blk(48), blk(48), blk(48),
                  blk(48), pl.BlockSpec((1, C), lambda i: (0, 0))],
        out_specs=blk(C),
        out_shape=jax.ShapeDtypeStruct((N, C), _f32),
    )(y1, r2, u30, a0, a1, zs3, dinv48, b1)



def kernel(x, edge_index, W11, b11, W12, b12, W13, b13, W21, b21, W22, b22,
           W23, b23, W31, b31, W32, b32, W33, b33, W1, b1,
           g21, g22, g23, g31, g32, g33):
    src = edge_index[0]
    dst = edge_index[1]
    flat = NW * NCHUNK * CHUNK
    srcp = jnp.concatenate([src, jnp.zeros((flat - E,), jnp.int32)]
                           ).reshape(NW, NCHUNK, CHUNK)
    dstp = jnp.concatenate([dst, jnp.full((flat - E,), N_PAD - 1, jnp.int32)]
                           ).reshape(NW, NCHUNK, CHUNK)
    x_p = jnp.pad(x, ((0, N_PAD - N), (0, 0)))

    ones16 = jnp.ones((CHUNK, 16), _f32)
    zero16 = jnp.zeros((RPS, 16), _f32)
    zero48 = jnp.zeros((RPS, 48), _f32)
    zero96 = jnp.zeros((RPS, 96), _f32)

    degacc = _deg_kernel(dstp, ones16, zero16)

    g2 = jnp.stack([g21, g22, g23])
    g3 = jnp.stack([g31, g32, g33])
    Ws = (W11, W12, W13, W21, W22, W23, W31, W32, W33)
    bs = (b11, b12, b13, b21, b22, b23, b31, b32, b33)
    zs0A, zs0B, U1A, U1B, U2A, U2B, u30, y1, dinv48 = _dense_call(
        x_p, Ws, bs, W1, g2, g3, degacc[0], degacc[1])

    zs0 = jnp.concatenate([zs0A, zs0B], axis=1)
    acc1 = _hop96(zs0, srcp, dstp, zero96)
    zs1A, zs1B = _comb(_comb1_body, U1A, U1B, acc1, zs0A, zs0B, dinv48)
    zs1 = jnp.concatenate([zs1A, zs1B], axis=1)
    acc2 = _hop96(zs1, srcp, dstp, zero96)
    r2, zs3 = _comb(_comb2_body, U2A, U2B, acc2, zs1A, zs1B, dinv48)
    acc3 = _hop48(zs3, srcp, dstp, zero48)

    return _final(y1[:N], r2[:N], u30[:N], acc3[0, :N], acc3[1, :N],
                  zs3[:N], dinv48[:N], b1.reshape(1, C))

# --- scband reference (transcript-rebuilt; emitter-appended) ---
"""Pipeline reference for scband-gra-inc-4320737100474 (READ-ONLY COPY).

The authoritative reference and input builder live on the scoring server;
editing this copy changes nothing except your own understanding.
"""

import jax, jax.numpy as jnp
import numpy as np

N = 10000; E = 160000; D = 256; H = 256; C = 40; K1 = 2; K3 = 3

def _gamma(K, alpha=0.1):
    g = alpha * (1.0 - alpha) ** np.arange(K + 1, dtype=np.float64)
    g[-1] = (1.0 - alpha) ** K
    return jnp.asarray(g, dtype=jnp.float32)

def setup_inputs(seed: int = 0) -> dict:
    key = jax.random.key(seed)
    ks = jax.random.split(key, 32)
    inp = {}
    inp['x'] = jax.random.normal(ks[0], (N, D), dtype=jnp.float32)
    inp['edge_index'] = jax.random.randint(ks[1], (2, E), 0, N, dtype=jnp.int32)
    names = ['11', '12', '13', '21', '22', '23', '31', '32', '33']
    s = 1.0 / np.sqrt(D)
    for i, nm in enumerate(names):
        inp['W' + nm] = jax.random.uniform(ks[2 + i], (D, H), jnp.float32, -s, s)
        inp['b' + nm] = jnp.zeros((H,), jnp.float32)
    s2 = 1.0 / np.sqrt(3 * H)
    inp['W1'] = jax.random.uniform(ks[20], (3 * H, C), jnp.float32, -s2, s2)
    inp['b1'] = jnp.zeros((C,), jnp.float32)
    inp['g21'] = _gamma(K1); inp['g22'] = _gamma(K1); inp['g23'] = _gamma(K1)
    inp['g31'] = _gamma(K3); inp['g32'] = _gamma(K3); inp['g33'] = _gamma(K3)
    return inp

def _prop(x, edge_index, gamma):
    # GPR-style K-hop propagation with sym-normalized adjacency + self loops
    src = edge_index[0]; dst = edge_index[1]
    deg = jnp.zeros((N,), jnp.float32).at[dst].add(1.0) + 1.0
    dinv = jax.lax.rsqrt(deg)
    enorm = dinv[src] * dinv[dst]
    snorm = dinv * dinv
    h = gamma[0] * x
    cur = x
    for k in range(1, gamma.shape[0]):
        msg = cur[src] * enorm[:, None]
        cur = jnp.zeros_like(cur).at[dst].add(msg) + cur * snorm[:, None]
        h = h + gamma[k] * cur
    return h

def reference(x, edge_index, W11, b11, W12, b12, W13, b13, W21, b21, W22, b22, W23, b23, W31, b31, W32, b32, W33, b33, W1, b1, g21, g22, g23, g31, g32, g33):
    relu = jax.nn.relu
    # eval mode: dropout is identity, dprate == 0.0 branch
    x11 = relu(x @ W11 + b11)
    x12 = relu(x @ W12 + b12)
    x13 = relu(x @ W13 + b13)
    x21 = relu(x @ W21 + b21)
    x22 = relu(x @ W22 + b22)
    x23 = relu(x @ W23 + b23)
    x31 = relu(x @ W31 + b31)
    x32 = relu(x @ W32 + b32)
    x33 = relu(x @ W33 + b33)
    x21 = _prop(x21, edge_index, g21)
    x22 = _prop(x22, edge_index, g22)
    x23 = _prop(x23, edge_index, g23)
    x31 = _prop(x31, edge_index, g31)
    x32 = _prop(x32, edge_index, g32)
    x33 = _prop(x33, edge_index, g33)
    x1 = jnp.concatenate([x11, x12, x13], axis=1)
    x2 = jnp.concatenate([x21, x22, x23], axis=1)
    x3 = jnp.concatenate([x31, x32, x33], axis=1)
    out = (x1 + x2 + x3) @ W1 + b1
    return jax.nn.log_softmax(out, axis=1)

if __name__ == "__main__":
    import jax
    _d = setup_inputs()
    print(jax.jit(kernel)(*tuple(_d.values())))

</pallas_src>

<mosaic_0001>
#map = affine_map<(d0, d1) -> (0, 0, 0)>
#map1 = affine_map<(d0, d1) -> (0, 0)>
module attributes {stable_mosaic.version = 14 : i64} {
  func.func @_deg_kernel(%arg0: i32, %arg1: i32, %arg2: memref<32x20x256xi32, #tpu.memory_space<hbm>>, %arg3: memref<256x16xf32, #tpu.memory_space<hbm>>, %arg4: memref<640x16xf32, #tpu.memory_space<hbm>>, %arg5: memref<2x10240x16xf32, #tpu.memory_space<hbm>>, %arg6: memref<20x256xi32, #tpu.memory_space<vmem>>, %arg7: memref<256x16xf32, #tpu.memory_space<vmem>>, %arg8: memref<10240x16xf32, #tpu.memory_space<vmem_shared>>) attributes {dimension_semantics = [#tpu.dimension_semantics<core_parallel>, #tpu.dimension_semantics<subcore_parallel>], iteration_bounds = array<i64: 2, 16>, scalar_prefetch = 0 : i64, scratch_operands = 3 : i64, tpu.core_type = #tpu.core_type<sc_vector_subcore>, window_params = [{transform_indices = #map}, {transform_indices = #map1}, {transform_indices = #map1}, {transform_indices = #map}]} {
    %mul3A = arith.constant 16 : i32
    %mul3A_0 = arith.muli %arg0, %mul3A : i32
    %add3A = arith.addi %mul3A_0, %arg1 : i32
    "tpu.region"() ({
      %run_scoped3A = tpu.sem_alloc : memref<!tpu.dma_semaphore, #tpu.memory_space<semaphore_mem>>
      %dma_start3A = arith.constant 0 : i32
      %dma_start3A_13 = arith.constant 0 : i32
      %dma_start3A_14 = tpu.memref_slice %arg2[%add3A, %dma_start3A, %dma_start3A_13] : memref<32x20x256xi32, #tpu.memory_space<hbm>> -> memref<1x20x256xi32, #tpu.memory_space<hbm>>
      %dma_start3A_15 = tpu.memref_squeeze %dma_start3A_14 : memref<1x20x256xi32, #tpu.memory_space<hbm>> -> memref<20x256xi32, #tpu.memory_space<hbm>>
      %dma_start3A_16 = arith.constant 0 : i32
      %dma_start3A_17 = arith.constant 0 : i32
      %dma_start3A_18 = tpu.memref_slice %arg2[%add3A, %dma_start3A_16, %dma_start3A_17] : memref<32x20x256xi32, #tpu.memory_space<hbm>> -> memref<1x20x256xi32, #tpu.memory_space<hbm>>
      %dma_start3A_19 = tpu.memref_squeeze %dma_start3A_18 : memref<1x20x256xi32, #tpu.memory_space<hbm>> -> memref<20x256xi32, #tpu.memory_space<hbm>>
      tpu.enqueue_dma source(%dma_start3A_19 : memref<20x256xi32, #tpu.memory_space<hbm>>) target(%arg6 : memref<20x256xi32, #tpu.memory_space<vmem>>) target_semaphore(%run_scoped3A : memref<!tpu.dma_semaphore, #tpu.memory_space<semaphore_mem>>)
      %dma_wait3A = arith.constant 0 : i32
      %dma_wait3A_20 = arith.constant 0 : i32
      %dma_wait3A_21 = tpu.memref_slice %arg2[%add3A, %dma_wait3A, %dma_wait3A_20] : memref<32x20x256xi32, #tpu.memory_space<hbm>> -> memref<1x20x256xi32, #tpu.memory_space<hbm>>
      %dma_wait3A_22 = tpu.memref_squeeze %dma_wait3A_21 : memref<1x20x256xi32, #tpu.memory_space<hbm>> -> memref<20x256xi32, #tpu.memory_space<hbm>>
      %dma_wait3A_23 = arith.constant 0 : i32
      %dma_wait3A_24 = arith.constant 0 : i32
      %dma_wait3A_25 = tpu.memref_slice %arg2[%add3A, %dma_wait3A_23, %dma_wait3A_24] : memref<32x20x256xi32, #tpu.memory_space<hbm>> -> memref<1x20x256xi32, #tpu.memory_space<hbm>>
      %dma_wait3A_26 = tpu.memref_squeeze %dma_wait3A_25 : memref<1x20x256xi32, #tpu.memory_space<hbm>> -> memref<20x256xi32, #tpu.memory_space<hbm>>
      tpu.wait_dma2 semaphore(%run_scoped3A : memref<!tpu.dma_semaphore, #tpu.memory_space<semaphore_mem>>) src(%dma_wait3A_26 : memref<20x256xi32, #tpu.memory_space<hbm>>) dst(%arg6 : memref<20x256xi32, #tpu.memory_space<vmem>>)
      tpu.yield
    }) : () -> ()
    "tpu.region"() ({
      %run_scoped3A = tpu.sem_alloc : memref<!tpu.dma_semaphore, #tpu.memory_space<semaphore_mem>>
      tpu.enqueue_dma source(%arg3 : memref<256x16xf32, #tpu.memory_space<hbm>>) target(%arg7 : memref<256x16xf32, #tpu.memory_space<vmem>>) target_semaphore(%run_scoped3A : memref<!tpu.dma_semaphore, #tpu.memory_space<semaphore_mem>>)
      tpu.wait_dma2 semaphore(%run_scoped3A : memref<!tpu.dma_semaphore, #tpu.memory_space<semaphore_mem>>) src(%arg3 : memref<256x16xf32, #tpu.memory_space<hbm>>) dst(%arg7 : memref<256x16xf32, #tpu.memory_space<vmem>>)
      tpu.yield
    }) : () -> ()
    %mul3A_1 = arith.constant 640 : i32
    %mul3A_2 = arith.muli %arg1, %mul3A_1 : i32
    "tpu.region"() ({
      %run_scoped3A = tpu.sem_alloc : memref<!tpu.dma_semaphore, #tpu.memory_space<semaphore_mem>>
      %dma_start3A = arith.constant 0 : i32
      %dma_start3A_13 = tpu.memref_slice %arg8[%mul3A_2, %dma_start3A] : memref<10240x16xf32, #tpu.memory_space<vmem_shared>> -> memref<640x16xf32, #tpu.memory_space<vmem_shared>>
      tpu.enqueue_dma source(%arg4 : memref<640x16xf32, #tpu.memory_space<hbm>>) target(%dma_start3A_13 : memref<640x16xf32, #tpu.memory_space<vmem_shared>>) target_semaphore(%run_scoped3A : memref<!tpu.dma_semaphore, #tpu.memory_space<semaphore_mem>>)
      %dma_wait3A = arith.constant 0 : i32
      %dma_wait3A_14 = tpu.memref_slice %arg8[%mul3A_2, %dma_wait3A] : memref<10240x16xf32, #tpu.memory_space<vmem_shared>> -> memref<640x16xf32, #tpu.memory_space<vmem_shared>>
      tpu.wait_dma2 semaphore(%run_scoped3A : memref<!tpu.dma_semaphore, #tpu.memory_space<semaphore_mem>>) src(%arg4 : memref<640x16xf32, #tpu.memory_space<hbm>>) dst(%dma_wait3A_14 : memref<640x16xf32, #tpu.memory_space<vmem_shared>>)
      tpu.yield
    }) : () -> ()
    %barrier3A = arith.constant 0 : index
    tpu.barrier barrier_id(%barrier3A)
    %scan3A = arith.constant 0 : i32
    %scan3A_3 = arith.constant 0 : i32
    %scan3A_4 = arith.constant 20 : i32
    %scan3A_5 = arith.addi %scan3A_3, %scan3A_4 : i32
    %scan3A_6 = arith.constant 1 : i32
    scf.for %scan3A_13 = %scan3A_3 to %scan3A_5 step %scan3A_6  : i32 {
      "tpu.region"() ({
        %run_scoped3A = tpu.sem_alloc : memref<!tpu.dma_semaphore, #tpu.memory_space<semaphore_mem>>
        %dma_start3A = arith.constant 0 : i32
        %dma_start3A_14 = tpu.memref_slice %arg6[%scan3A_13, %dma_start3A] : memref<20x256xi32, #tpu.memory_space<vmem>> -> memref<1x256xi32, #tpu.memory_space<vmem>>
        %dma_start3A_15 = tpu.memref_squeeze %dma_start3A_14 : memref<1x256xi32, #tpu.memory_space<vmem>> -> memref<256xi32, #tpu.memory_space<vmem>>
        %dma_start3A_16 = arith.constant 0 : i32
        %dma_start3A_17 = arith.constant 0 : i32
        %dma_start3A_18 = tpu.memref_slice %arg8[%dma_start3A_16, %dma_start3A_17] : memref<10240x16xf32, #tpu.memory_space<vmem_shared>> -> memref<10240x16xf32, #tpu.memory_space<vmem_shared>>
        tpu.enqueue_indirect_dma source(%arg7 : memref<256x16xf32, #tpu.memory_space<vmem>>) target(%dma_start3A_18 : memref<10240x16xf32, #tpu.memory_space<vmem_shared>>) offsets(%dma_start3A_15 : memref<256xi32, #tpu.memory_space<vmem>>) semaphore(%run_scoped3A : memref<!tpu.dma_semaphore, #tpu.memory_space<semaphore_mem>>) {add = true}
        %dma_wait3A = arith.constant 0 : i32
        %dma_wait3A_19 = tpu.memref_slice %arg6[%scan3A_13, %dma_wait3A] : memref<20x256xi32, #tpu.memory_space<vmem>> -> memref<1x256xi32, #tpu.memory_space<vmem>>
        %dma_wait3A_20 = tpu.memref_squeeze %dma_wait3A_19 : memref<1x256xi32, #tpu.memory_space<vmem>> -> memref<256xi32, #tpu.memory_space<vmem>>
        %dma_wait3A_21 = arith.constant 0 : i32
        %dma_wait3A_22 = arith.constant 0 : i32
        %dma_wait3A_23 = tpu.memref_slice %arg8[%dma_wait3A_21, %dma_wait3A_22] : memref<10240x16xf32, #tpu.memory_space<vmem_shared>> -> memref<10240x16xf32, #tpu.memory_space<vmem_shared>>
        tpu.wait_indirect_dma semaphore(%run_scoped3A : memref<!tpu.dma_semaphore, #tpu.memory_space<semaphore_mem>>) src(%arg7 : memref<256x16xf32, #tpu.memory_space<vmem>>) dst(%dma_wait3A_23 : memref<10240x16xf32, #tpu.memory_space<vmem_shared>>)
        tpu.yield
      }) : () -> ()
    }
    %scan3A_7 = arith.constant 20 : i32
    %barrier3A_8 = arith.constant 0 : index
    tpu.barrier barrier_id(%barrier3A_8)
    %mul3A_9 = arith.constant 640 : i32
    %mul3A_10 = arith.muli %arg1, %mul3A_9 : i32
    %mul3A_11 = arith.constant 640 : i32
    %mul3A_12 = arith.muli %arg1, %mul3A_11 : i32
    "tpu.region"() ({
      %run_scoped3A = tpu.sem_alloc : memref<!tpu.dma_semaphore, #tpu.memory_space<semaphore_mem>>
      %dma_start3A = arith.constant 0 : i32
      %dma_start3A_13 = tpu.memref_slice %arg5[%arg0, %mul3A_12, %dma_start3A] : memref<2x10240x16xf32, #tpu.memory_space<hbm>> -> memref<1x640x16xf32, #tpu.memory_space<hbm>>
      %dma_start3A_14 = tpu.memref_squeeze %dma_start3A_13 : memref<1x640x16xf32, #tpu.memory_space<hbm>> -> memref<640x16xf32, #tpu.memory_space<hbm>>
      %dma_start3A_15 = arith.constant 0 : i32
      %dma_start3A_16 = tpu.memref_slice %arg8[%mul3A_10, %dma_start3A_15] : memref<10240x16xf32, #tpu.memory_space<vmem_shared>> -> memref<640x16xf32, #tpu.memory_space<vmem_shared>>
      tpu.enqueue_dma source(%dma_start3A_16 : memref<640x16xf32, #tpu.memory_space<vmem_shared>>) target(%dma_start3A_14 : memref<640x16xf32, #tpu.memory_space<hbm>>) target_semaphore(%run_scoped3A : memref<!tpu.dma_semaphore, #tpu.memory_space<semaphore_mem>>)
      %dma_wait3A = arith.constant 0 : i32
      %dma_wait3A_17 = tpu.memref_slice %arg5[%arg0, %mul3A_12, %dma_wait3A] : memref<2x10240x16xf32, #tpu.memory_space<hbm>> -> memref<1x640x16xf32, #tpu.memory_space<hbm>>
      %dma_wait3A_18 = tpu.memref_squeeze %dma_wait3A_17 : memref<1x640x16xf32, #tpu.memory_space<hbm>> -> memref<640x16xf32, #tpu.memory_space<hbm>>
      %dma_wait3A_19 = arith.constant 0 : i32
      %dma_wait3A_20 = tpu.memref_slice %arg8[%mul3A_10, %dma_wait3A_19] : memref<10240x16xf32, #tpu.memory_space<vmem_shared>> -> memref<640x16xf32, #tpu.memory_space<vmem_shared>>
      tpu.wait_dma2 semaphore(%run_scoped3A : memref<!tpu.dma_semaphore, #tpu.memory_space<semaphore_mem>>) src(%dma_wait3A_20 : memref<640x16xf32, #tpu.memory_space<vmem_shared>>) dst(%dma_wait3A_18 : memref<640x16xf32, #tpu.memory_space<hbm>>)
      tpu.yield
    }) : () -> ()
    return
  }
}

#map = affine_map<(d0, d1) -> (0, 0)>
#map1 = affine_map<(d0, d1) -> (0, 0, 0)>
module attributes {stable_mosaic.version = 14 : i64} {
  func.func @hop(%arg0: i32, %arg1: i32, %arg2: memref<10240x96xf32, #tpu.memory_space<hbm>>, %arg3: memref<32x20x256xi32, #tpu.memory_space<hbm>>, %arg4: memref<32x20x256xi32, #tpu.memory_space<hbm>>, %arg5: memref<640x96xf32, #tpu.memory_space<hbm>>, %arg6: memref<2x10240x96xf32, #tpu.memory_space<hbm>>, %arg7: memref<20x256xi32, #tpu.memory_space<vmem>>, %arg8: memref<20x256xi32, #tpu.memory_space<vmem>>, %arg9: memref<256x96xf32, #tpu.memory_space<vmem>>, %arg10: memref<10240x96xf32, #tpu.memory_space<vmem_shared>>, %arg11: memref<!tpu.dma_semaphore, #tpu.memory_space<semaphore_mem>>) attributes {dimension_semantics = [#tpu.dimension_semantics<core_parallel>, #tpu.dimension_semantics<subcore_parallel>], iteration_bounds = array<i64: 2, 16>, scalar_prefetch = 0 : i64, scratch_operands = 5 : i64, tpu.core_type = #tpu.core_type<sc_vector_subcore>, window_params = [{transform_indices = #map}, {transform_indices = #map1}, {transform_indices = #map1}, {transform_indices = #map}, {transform_indices = #map1}]} {
    %mul3A = arith.constant 16 : i32
    %mul3A_0 = arith.muli %arg0, %mul3A : i32
    %add3A = arith.addi %mul3A_0, %arg1 : i32
    "tpu.region"() ({
      %run_scoped3A = tpu.sem_alloc : memref<!tpu.dma_semaphore, #tpu.memory_space<semaphore_mem>>
      %dma_start3A = arith.constant 0 : i32
      %dma_start3A_13 = arith.constant 0 : i32
      %dma_start3A_14 = tpu.memref_slice %arg3[%add3A, %dma_start3A, %dma_start3A_13] : memref<32x20x256xi32, #tpu.memory_space<hbm>> -> memref<1x20x256xi32, #tpu.memory_space<hbm>>
      %dma_start3A_15 = tpu.memref_squeeze %dma_start3A_14 : memref<1x20x256xi32, #tpu.memory_space<hbm>> -> memref<20x256xi32, #tpu.memory_space<hbm>>
      %dma_start3A_16 = arith.constant 0 : i32
      %dma_start3A_17 = arith.constant 0 : i32
      %dma_start3A_18 = tpu.memref_slice %arg3[%add3A, %dma_start3A_16, %dma_start3A_17] : memref<32x20x256xi32, #tpu.memory_space<hbm>> -> memref<1x20x256xi32, #tpu.memory_space<hbm>>
      %dma_start3A_19 = tpu.memref_squeeze %dma_start3A_18 : memref<1x20x256xi32, #tpu.memory_space<hbm>> -> memref<20x256xi32, #tpu.memory_space<hbm>>
      tpu.enqueue_dma source(%dma_start3A_19 : memref<20x256xi32, #tpu.memory_space<hbm>>) target(%arg7 : memref<20x256xi32, #tpu.memory_space<vmem>>) target_semaphore(%run_scoped3A : memref<!tpu.dma_semaphore, #tpu.memory_space<semaphore_mem>>)
      %dma_wait3A = arith.constant 0 : i32
      %dma_wait3A_20 = arith.constant 0 : i32
      %dma_wait3A_21 = tpu.memref_slice %arg3[%add3A, %dma_wait3A, %dma_wait3A_20] : memref<32x20x256xi32, #tpu.memory_space<hbm>> -> memref<1x20x256xi32, #tpu.memory_space<hbm>>
      %dma_wait3A_22 = tpu.memref_squeeze %dma_wait3A_21 : memref<1x20x256xi32, #tpu.memory_space<hbm>> -> memref<20x256xi32, #tpu.memory_space<hbm>>
      %dma_wait3A_23 = arith.constant 0 : i32
      %dma_wait3A_24 = arith.constant 0 : i32
      %dma_wait3A_25 = tpu.memref_slice %arg3[%add3A, %dma_wait3A_23, %dma_wait3A_24] : memref<32x20x256xi32, #tpu.memory_space<hbm>> -> memref<1x20x256xi32, #tpu.memory_space<hbm>>
      %dma_wait3A_26 = tpu.memref_squeeze %dma_wait3A_25 : memref<1x20x256xi32, #tpu.memory_space<hbm>> -> memref<20x256xi32, #tpu.memory_space<hbm>>
      tpu.wait_dma2 semaphore(%run_scoped3A : memref<!tpu.dma_semaphore, #tpu.memory_space<semaphore_mem>>) src(%dma_wait3A_26 : memref<20x256xi32, #tpu.memory_space<hbm>>) dst(%arg7 : memref<20x256xi32, #tpu.memory_space<vmem>>)
      tpu.yield
    }) : () -> ()
    "tpu.region"() ({
      %run_scoped3A = tpu.sem_alloc : memref<!tpu.dma_semaphore, #tpu.memory_space<semaphore_mem>>
      %dma_start3A = arith.constant 0 : i32
      %dma_start3A_13 = arith.constant 0 : i32
      %dma_start3A_14 = tpu.memref_slice %arg4[%add3A, %dma_start3A, %dma_start3A_13] : memref<32x20x256xi32, #tpu.memory_space<hbm>> -> memref<1x20x256xi32, #tpu.memory_space<hbm>>
      %dma_start3A_15 = tpu.memref_squeeze %dma_start3A_14 : memref<1x20x256xi32, #tpu.memory_space<hbm>> -> memref<20x256xi32, #tpu.memory_space<hbm>>
      %dma_start3A_16 = arith.constant 0 : i32
      %dma_start3A_17 = arith.constant 0 : i32
      %dma_start3A_18 = tpu.memref_slice %arg4[%add3A, %dma_start3A_16, %dma_start3A_17] : memref<32x20x256xi32, #tpu.memory_space<hbm>> -> memref<1x20x256xi32, #tpu.memory_space<hbm>>
      %dma_start3A_19 = tpu.memref_squeeze %dma_start3A_18 : memref<1x20x256xi32, #tpu.memory_space<hbm>> -> memref<20x256xi32, #tpu.memory_space<hbm>>
      tpu.enqueue_dma source(%dma_start3A_19 : memref<20x256xi32, #tpu.memory_space<hbm>>) target(%arg8 : memref<20x256xi32, #tpu.memory_space<vmem>>) target_semaphore(%run_scoped3A : memref<!tpu.dma_semaphore, #tpu.memory_space<semaphore_mem>>)
      %dma_wait3A = arith.constant 0 : i32
      %dma_wait3A_20 = arith.constant 0 : i32
      %dma_wait3A_21 = tpu.memref_slice %arg4[%add3A, %dma_wait3A, %dma_wait3A_20] : memref<32x20x256xi32, #tpu.memory_space<hbm>> -> memref<1x20x256xi32, #tpu.memory_space<hbm>>
      %dma_wait3A_22 = tpu.memref_squeeze %dma_wait3A_21 : memref<1x20x256xi32, #tpu.memory_space<hbm>> -> memref<20x256xi32, #tpu.memory_space<hbm>>
      %dma_wait3A_23 = arith.constant 0 : i32
      %dma_wait3A_24 = arith.constant 0 : i32
      %dma_wait3A_25 = tpu.memref_slice %arg4[%add3A, %dma_wait3A_23, %dma_wait3A_24] : memref<32x20x256xi32, #tpu.memory_space<hbm>> -> memref<1x20x256xi32, #tpu.memory_space<hbm>>
      %dma_wait3A_26 = tpu.memref_squeeze %dma_wait3A_25 : memref<1x20x256xi32, #tpu.memory_space<hbm>> -> memref<20x256xi32, #tpu.memory_space<hbm>>
      tpu.wait_dma2 semaphore(%run_scoped3A : memref<!tpu.dma_semaphore, #tpu.memory_space<semaphore_mem>>) src(%dma_wait3A_26 : memref<20x256xi32, #tpu.memory_space<hbm>>) dst(%arg8 : memref<20x256xi32, #tpu.memory_space<vmem>>)
      tpu.yield
    }) : () -> ()
    %mul3A_1 = arith.constant 640 : i32
    %mul3A_2 = arith.muli %arg1, %mul3A_1 : i32
    "tpu.region"() ({
      %run_scoped3A = tpu.sem_alloc : memref<!tpu.dma_semaphore, #tpu.memory_space<semaphore_mem>>
      %dma_start3A = arith.constant 0 : i32
      %dma_start3A_13 = tpu.memref_slice %arg10[%mul3A_2, %dma_start3A] : memref<10240x96xf32, #tpu.memory_space<vmem_shared>> -> memref<640x96xf32, #tpu.memory_space<vmem_shared>>
      tpu.enqueue_dma source(%arg5 : memref<640x96xf32, #tpu.memory_space<hbm>>) target(%dma_start3A_13 : memref<640x96xf32, #tpu.memory_space<vmem_shared>>) target_semaphore(%run_scoped3A : memref<!tpu.dma_semaphore, #tpu.memory_space<semaphore_mem>>)
      %dma_wait3A = arith.constant 0 : i32
      %dma_wait3A_14 = tpu.memref_slice %arg10[%mul3A_2, %dma_wait3A] : memref<10240x96xf32, #tpu.memory_space<vmem_shared>> -> memref<640x96xf32, #tpu.memory_space<vmem_shared>>
      tpu.wait_dma2 semaphore(%run_scoped3A : memref<!tpu.dma_semaphore, #tpu.memory_space<semaphore_mem>>) src(%arg5 : memref<640x96xf32, #tpu.memory_space<hbm>>) dst(%dma_wait3A_14 : memref<640x96xf32, #tpu.memory_space<vmem_shared>>)
      tpu.yield
    }) : () -> ()
    %barrier3A = arith.constant 0 : index
    tpu.barrier barrier_id(%barrier3A)
    %scan3A = arith.constant 0 : i32
    %scan3A_3 = arith.constant 0 : i32
    %scan3A_4 = arith.constant 20 : i32
    %scan3A_5 = arith.addi %scan3A_3, %scan3A_4 : i32
    %scan3A_6 = arith.constant 1 : i32
    scf.for %scan3A_13 = %scan3A_3 to %scan3A_5 step %scan3A_6  : i32 {
      %dma_start3A = arith.constant 0 : i32
      %dma_start3A_14 = tpu.memref_slice %arg7[%scan3A_13, %dma_start3A] : memref<20x256xi32, #tpu.memory_space<vmem>> -> memref<1x256xi32, #tpu.memory_space<vmem>>
      %dma_start3A_15 = tpu.memref_squeeze %dma_start3A_14 : memref<1x256xi32, #tpu.memory_space<vmem>> -> memref<256xi32, #tpu.memory_space<vmem>>
      %dma_start3A_16 = arith.constant 0 : i32
      %dma_start3A_17 = arith.constant 0 : i32
      %dma_start3A_18 = tpu.memref_slice %arg2[%dma_start3A_16, %dma_start3A_17] : memref<10240x96xf32, #tpu.memory_space<hbm>> -> memref<10240x96xf32, #tpu.memory_space<hbm>>
      tpu.enqueue_indirect_dma source(%dma_start3A_18 : memref<10240x96xf32, #tpu.memory_space<hbm>>) target(%arg9 : memref<256x96xf32, #tpu.memory_space<vmem>>) offsets(%dma_start3A_15 : memref<256xi32, #tpu.memory_space<vmem>>) semaphore(%arg11 : memref<!tpu.dma_semaphore, #tpu.memory_space<semaphore_mem>>)
      %dma_wait3A = arith.constant 0 : i32
      %dma_wait3A_19 = tpu.memref_slice %arg7[%scan3A_13, %dma_wait3A] : memref<20x256xi32, #tpu.memory_space<vmem>> -> memref<1x256xi32, #tpu.memory_space<vmem>>
      %dma_wait3A_20 = tpu.memref_squeeze %dma_wait3A_19 : memref<1x256xi32, #tpu.memory_space<vmem>> -> memref<256xi32, #tpu.memory_space<vmem>>
      %dma_wait3A_21 = arith.constant 0 : i32
      %dma_wait3A_22 = arith.constant 0 : i32
      %dma_wait3A_23 = tpu.memref_slice %arg2[%dma_wait3A_21, %dma_wait3A_22] : memref<10240x96xf32, #tpu.memory_space<hbm>> -> memref<10240x96xf32, #tpu.memory_space<hbm>>
      tpu.wait_indirect_dma semaphore(%arg11 : memref<!tpu.dma_semaphore, #tpu.memory_space<semaphore_mem>>) src(%dma_wait3A_23 : memref<10240x96xf32, #tpu.memory_space<hbm>>) dst(%arg9 : memref<256x96xf32, #tpu.memory_space<vmem>>)
      "tpu.region"() ({
        %run_scoped3A = tpu.sem_alloc : memref<!tpu.dma_semaphore, #tpu.memory_space<semaphore_mem>>
        %dma_start3A_24 = arith.constant 0 : i32
        %dma_start3A_25 = tpu.memref_slice %arg8[%scan3A_13, %dma_start3A_24] : memref<20x256xi32, #tpu.memory_space<vmem>> -> memref<1x256xi32, #tpu.memory_space<vmem>>
        %dma_start3A_26 = tpu.memref_squeeze %dma_start3A_25 : memref<1x256xi32, #tpu.memory_space<vmem>> -> memref<256xi32, #tpu.memory_space<vmem>>
        %dma_start3A_27 = arith.constant 0 : i32
        %dma_start3A_28 = arith.constant 0 : i32
        %dma_start3A_29 = tpu.memref_slice %arg10[%dma_start3A_27, %dma_start3A_28] : memref<10240x96xf32, #tpu.memory_space<vmem_shared>> -> memref<10240x96xf32, #tpu.memory_space<vmem_shared>>
        tpu.enqueue_indirect_dma source(%arg9 : memref<256x96xf32, #tpu.memory_space<vmem>>) target(%dma_start3A_29 : memref<10240x96xf32, #tpu.memory_space<vmem_shared>>) offsets(%dma_start3A_26 : memref<256xi32, #tpu.memory_space<vmem>>) semaphore(%run_scoped3A : memref<!tpu.dma_semaphore, #tpu.memory_space<semaphore_mem>>) {add = true}
        %dma_wait3A_30 = arith.constant 0 : i32
        %dma_wait3A_31 = tpu.memref_slice %arg8[%scan3A_13, %dma_wait3A_30] : memref<20x256xi32, #tpu.memory_space<vmem>> -> memref<1x256xi32, #tpu.memory_space<vmem>>
        %dma_wait3A_32 = tpu.memref_squeeze %dma_wait3A_31 : memref<1x256xi32, #tpu.memory_space<vmem>> -> memref<256xi32, #tpu.memory_space<vmem>>
        %dma_wait3A_33 = arith.constant 0 : i32
        %dma_wait3A_34 = arith.constant 0 : i32
        %dma_wait3A_35 = tpu.memref_slice %arg10[%dma_wait3A_33, %dma_wait3A_34] : memref<10240x96xf32, #tpu.memory_space<vmem_shared>> -> memref<10240x96xf32, #tpu.memory_space<vmem_shared>>
        tpu.wait_indirect_dma semaphore(%run_scoped3A : memref<!tpu.dma_semaphore, #tpu.memory_space<semaphore_mem>>) src(%arg9 : memref<256x96xf32, #tpu.memory_space<vmem>>) dst(%dma_wait3A_35 : memref<10240x96xf32, #tpu.memory_space<vmem_shared>>)
        tpu.yield
      }) : () -> ()
    }
    %scan3A_7 = arith.constant 20 : i32
    %barrier3A_8 = arith.constant 0 : index
    tpu.barrier barrier_id(%barrier3A_8)
    %mul3A_9 = arith.constant 640 : i32
    %mul3A_10 = arith.muli %arg1, %mul3A_9 : i32
    %mul3A_11 = arith.constant 640 : i32
    %mul3A_12 = arith.muli %arg1, %mul3A_11 : i32
    "tpu.region"() ({
      %run_scoped3A = tpu.sem_alloc : memref<!tpu.dma_semaphore, #tpu.memory_space<semaphore_mem>>
      %dma_start3A = arith.constant 0 : i32
      %dma_start3A_13 = tpu.memref_slice %arg6[%arg0, %mul3A_12, %dma_start3A] : memref<2x10240x96xf32, #tpu.memory_space<hbm>> -> memref<1x640x96xf32, #tpu.memory_space<hbm>>
      %dma_start3A_14 = tpu.memref_squeeze %dma_start3A_13 : memref<1x640x96xf32, #tpu.memory_space<hbm>> -> memref<640x96xf32, #tpu.memory_space<hbm>>
      %dma_start3A_15 = arith.constant 0 : i32
      %dma_start3A_16 = tpu.memref_slice %arg10[%mul3A_10, %dma_start3A_15] : memref<10240x96xf32, #tpu.memory_space<vmem_shared>> -> memref<640x96xf32, #tpu.memory_space<vmem_shared>>
      tpu.enqueue_dma source(%dma_start3A_16 : memref<640x96xf32, #tpu.memory_space<vmem_shared>>) target(%dma_start3A_14 : memref<640x96xf32, #tpu.memory_space<hbm>>) target_semaphore(%run_scoped3A : memref<!tpu.dma_semaphore, #tpu.memory_space<semaphore_mem>>)
      %dma_wait3A = arith.constant 0 : i32
      %dma_wait3A_17 = tpu.memref_slice %arg6[%arg0, %mul3A_12, %dma_wait3A] : memref<2x10240x96xf32, #tpu.memory_space<hbm>> -> memref<1x640x96xf32, #tpu.memory_space<hbm>>
      %dma_wait3A_18 = tpu.memref_squeeze %dma_wait3A_17 : memref<1x640x96xf32, #tpu.memory_space<hbm>> -> memref<640x96xf32, #tpu.memory_space<hbm>>
      %dma_wait3A_19 = arith.constant 0 : i32
      %dma_wait3A_20 = tpu.memref_slice %arg10[%mul3A_10, %dma_wait3A_19] : memref<10240x96xf32, #tpu.memory_space<vmem_shared>> -> memref<640x96xf32, #tpu.memory_space<vmem_shared>>
      tpu.wait_dma2 semaphore(%run_scoped3A : memref<!tpu.dma_semaphore, #tpu.memory_space<semaphore_mem>>) src(%dma_wait3A_20 : memref<640x96xf32, #tpu.memory_space<vmem_shared>>) dst(%dma_wait3A_18 : memref<640x96xf32, #tpu.memory_space<hbm>>)
      tpu.yield
    }) : () -> ()
    return
  }
}

#map = affine_map<(d0, d1) -> (0, 0)>
#map1 = affine_map<(d0, d1) -> (0, 0, 0)>
module attributes {stable_mosaic.version = 14 : i64} {
  func.func @hop(%arg0: i32, %arg1: i32, %arg2: memref<10240x96xf32, #tpu.memory_space<hbm>>, %arg3: memref<32x20x256xi32, #tpu.memory_space<hbm>>, %arg4: memref<32x20x256xi32, #tpu.memory_space<hbm>>, %arg5: memref<640x96xf32, #tpu.memory_space<hbm>>, %arg6: memref<2x10240x96xf32, #tpu.memory_space<hbm>>, %arg7: memref<20x256xi32, #tpu.memory_space<vmem>>, %arg8: memref<20x256xi32, #tpu.memory_space<vmem>>, %arg9: memref<256x96xf32, #tpu.memory_space<vmem>>, %arg10: memref<10240x96xf32, #tpu.memory_space<vmem_shared>>, %arg11: memref<!tpu.dma_semaphore, #tpu.memory_space<semaphore_mem>>) attributes {dimension_semantics = [#tpu.dimension_semantics<core_parallel>, #tpu.dimension_semantics<subcore_parallel>], iteration_bounds = array<i64: 2, 16>, scalar_prefetch = 0 : i64, scratch_operands = 5 : i64, tpu.core_type = #tpu.core_type<sc_vector_subcore>, window_params = [{transform_indices = #map}, {transform_indices = #map1}, {transform_indices = #map1}, {transform_indices = #map}, {transform_indices = #map1}]} {
    %mul3A = arith.constant 16 : i32
    %mul3A_0 = arith.muli %arg0, %mul3A : i32
    %add3A = arith.addi %mul3A_0, %arg1 : i32
    "tpu.region"() ({
      %run_scoped3A = tpu.sem_alloc : memref<!tpu.dma_semaphore, #tpu.memory_space<semaphore_mem>>
      %dma_start3A = arith.constant 0 : i32
      %dma_start3A_13 = arith.constant 0 : i32
      %dma_start3A_14 = tpu.memref_slice %arg3[%add3A, %dma_start3A, %dma_start3A_13] : memref<32x20x256xi32, #tpu.memory_space<hbm>> -> memref<1x20x256xi32, #tpu.memory_space<hbm>>
      %dma_start3A_15 = tpu.memref_squeeze %dma_start3A_14 : memref<1x20x256xi32, #tpu.memory_space<hbm>> -> memref<20x256xi32, #tpu.memory_space<hbm>>
      %dma_start3A_16 = arith.constant 0 : i32
      %dma_start3A_17 = arith.constant 0 : i32
      %dma_start3A_18 = tpu.memref_slice %arg3[%add3A, %dma_start3A_16, %dma_start3A_17] : memref<32x20x256xi32, #tpu.memory_space<hbm>> -> memref<1x20x256xi32, #tpu.memory_space<hbm>>
      %dma_start3A_19 = tpu.memref_squeeze %dma_start3A_18 : memref<1x20x256xi32, #tpu.memory_space<hbm>> -> memref<20x256xi32, #tpu.memory_space<hbm>>
      tpu.enqueue_dma source(%dma_start3A_19 : memref<20x256xi32, #tpu.memory_space<hbm>>) target(%arg7 : memref<20x256xi32, #tpu.memory_space<vmem>>) target_semaphore(%run_scoped3A : memref<!tpu.dma_semaphore, #tpu.memory_space<semaphore_mem>>)
      %dma_wait3A = arith.constant 0 : i32
      %dma_wait3A_20 = arith.constant 0 : i32
      %dma_wait3A_21 = tpu.memref_slice %arg3[%add3A, %dma_wait3A, %dma_wait3A_20] : memref<32x20x256xi32, #tpu.memory_space<hbm>> -> memref<1x20x256xi32, #tpu.memory_space<hbm>>
      %dma_wait3A_22 = tpu.memref_squeeze %dma_wait3A_21 : memref<1x20x256xi32, #tpu.memory_space<hbm>> -> memref<20x256xi32, #tpu.memory_space<hbm>>
      %dma_wait3A_23 = arith.constant 0 : i32
      %dma_wait3A_24 = arith.constant 0 : i32
      %dma_wait3A_25 = tpu.memref_slice %arg3[%add3A, %dma_wait3A_23, %dma_wait3A_24] : memref<32x20x256xi32, #tpu.memory_space<hbm>> -> memref<1x20x256xi32, #tpu.memory_space<hbm>>
      %dma_wait3A_26 = tpu.memref_squeeze %dma_wait3A_25 : memref<1x20x256xi32, #tpu.memory_space<hbm>> -> memref<20x256xi32, #tpu.memory_space<hbm>>
      tpu.wait_dma2 semaphore(%run_scoped3A : memref<!tpu.dma_semaphore, #tpu.memory_space<semaphore_mem>>) src(%dma_wait3A_26 : memref<20x256xi32, #tpu.memory_space<hbm>>) dst(%arg7 : memref<20x256xi32, #tpu.memory_space<vmem>>)
      tpu.yield
    }) : () -> ()
    "tpu.region"() ({
      %run_scoped3A = tpu.sem_alloc : memref<!tpu.dma_semaphore, #tpu.memory_space<semaphore_mem>>
      %dma_start3A = arith.constant 0 : i32
      %dma_start3A_13 = arith.constant 0 : i32
      %dma_start3A_14 = tpu.memref_slice %arg4[%add3A, %dma_start3A, %dma_start3A_13] : memref<32x20x256xi32, #tpu.memory_space<hbm>> -> memref<1x20x256xi32, #tpu.memory_space<hbm>>
      %dma_start3A_15 = tpu.memref_squeeze %dma_start3A_14 : memref<1x20x256xi32, #tpu.memory_space<hbm>> -> memref<20x256xi32, #tpu.memory_space<hbm>>
      %dma_start3A_16 = arith.constant 0 : i32
      %dma_start3A_17 = arith.constant 0 : i32
      %dma_start3A_18 = tpu.memref_slice %arg4[%add3A, %dma_start3A_16, %dma_start3A_17] : memref<32x20x256xi32, #tpu.memory_space<hbm>> -> memref<1x20x256xi32, #tpu.memory_space<hbm>>
      %dma_start3A_19 = tpu.memref_squeeze %dma_start3A_18 : memref<1x20x256xi32, #tpu.memory_space<hbm>> -> memref<20x256xi32, #tpu.memory_space<hbm>>
      tpu.enqueue_dma source(%dma_start3A_19 : memref<20x256xi32, #tpu.memory_space<hbm>>) target(%arg8 : memref<20x256xi32, #tpu.memory_space<vmem>>) target_semaphore(%run_scoped3A : memref<!tpu.dma_semaphore, #tpu.memory_space<semaphore_mem>>)
      %dma_wait3A = arith.constant 0 : i32
      %dma_wait3A_20 = arith.constant 0 : i32
      %dma_wait3A_21 = tpu.memref_slice %arg4[%add3A, %dma_wait3A, %dma_wait3A_20] : memref<32x20x256xi32, #tpu.memory_space<hbm>> -> memref<1x20x256xi32, #tpu.memory_space<hbm>>
      %dma_wait3A_22 = tpu.memref_squeeze %dma_wait3A_21 : memref<1x20x256xi32, #tpu.memory_space<hbm>> -> memref<20x256xi32, #tpu.memory_space<hbm>>
      %dma_wait3A_23 = arith.constant 0 : i32
      %dma_wait3A_24 = arith.constant 0 : i32
      %dma_wait3A_25 = tpu.memref_slice %arg4[%add3A, %dma_wait3A_23, %dma_wait3A_24] : memref<32x20x256xi32, #tpu.memory_space<hbm>> -> memref<1x20x256xi32, #tpu.memory_space<hbm>>
      %dma_wait3A_26 = tpu.memref_squeeze %dma_wait3A_25 : memref<1x20x256xi32, #tpu.memory_space<hbm>> -> memref<20x256xi32, #tpu.memory_space<hbm>>
      tpu.wait_dma2 semaphore(%run_scoped3A : memref<!tpu.dma_semaphore, #tpu.memory_space<semaphore_mem>>) src(%dma_wait3A_26 : memref<20x256xi32, #tpu.memory_space<hbm>>) dst(%arg8 : memref<20x256xi32, #tpu.memory_space<vmem>>)
      tpu.yield
    }) : () -> ()
    %mul3A_1 = arith.constant 640 : i32
    %mul3A_2 = arith.muli %arg1, %mul3A_1 : i32
    "tpu.region"() ({
      %run_scoped3A = tpu.sem_alloc : memref<!tpu.dma_semaphore, #tpu.memory_space<semaphore_mem>>
      %dma_start3A = arith.constant 0 : i32
      %dma_start3A_13 = tpu.memref_slice %arg10[%mul3A_2, %dma_start3A] : memref<10240x96xf32, #tpu.memory_space<vmem_shared>> -> memref<640x96xf32, #tpu.memory_space<vmem_shared>>
      tpu.enqueue_dma source(%arg5 : memref<640x96xf32, #tpu.memory_space<hbm>>) target(%dma_start3A_13 : memref<640x96xf32, #tpu.memory_space<vmem_shared>>) target_semaphore(%run_scoped3A : memref<!tpu.dma_semaphore, #tpu.memory_space<semaphore_mem>>)
      %dma_wait3A = arith.constant 0 : i32
      %dma_wait3A_14 = tpu.memref_slice %arg10[%mul3A_2, %dma_wait3A] : memref<10240x96xf32, #tpu.memory_space<vmem_shared>> -> memref<640x96xf32, #tpu.memory_space<vmem_shared>>
      tpu.wait_dma2 semaphore(%run_scoped3A : memref<!tpu.dma_semaphore, #tpu.memory_space<semaphore_mem>>) src(%arg5 : memref<640x96xf32, #tpu.memory_space<hbm>>) dst(%dma_wait3A_14 : memref<640x96xf32, #tpu.memory_space<vmem_shared>>)
      tpu.yield
    }) : () -> ()
    %barrier3A = arith.constant 0 : index
    tpu.barrier barrier_id(%barrier3A)
    %scan3A = arith.constant 0 : i32
    %scan3A_3 = arith.constant 0 : i32
    %scan3A_4 = arith.constant 20 : i32
    %scan3A_5 = arith.addi %scan3A_3, %scan3A_4 : i32
    %scan3A_6 = arith.constant 1 : i32
    scf.for %scan3A_13 = %scan3A_3 to %scan3A_5 step %scan3A_6  : i32 {
      %dma_start3A = arith.constant 0 : i32
      %dma_start3A_14 = tpu.memref_slice %arg7[%scan3A_13, %dma_start3A] : memref<20x256xi32, #tpu.memory_space<vmem>> -> memref<1x256xi32, #tpu.memory_space<vmem>>
      %dma_start3A_15 = tpu.memref_squeeze %dma_start3A_14 : memref<1x256xi32, #tpu.memory_space<vmem>> -> memref<256xi32, #tpu.memory_space<vmem>>
      %dma_start3A_16 = arith.constant 0 : i32
      %dma_start3A_17 = arith.constant 0 : i32
      %dma_start3A_18 = tpu.memref_slice %arg2[%dma_start3A_16, %dma_start3A_17] : memref<10240x96xf32, #tpu.memory_space<hbm>> -> memref<10240x96xf32, #tpu.memory_space<hbm>>
      tpu.enqueue_indirect_dma source(%dma_start3A_18 : memref<10240x96xf32, #tpu.memory_space<hbm>>) target(%arg9 : memref<256x96xf32, #tpu.memory_space<vmem>>) offsets(%dma_start3A_15 : memref<256xi32, #tpu.memory_space<vmem>>) semaphore(%arg11 : memref<!tpu.dma_semaphore, #tpu.memory_space<semaphore_mem>>)
      %dma_wait3A = arith.constant 0 : i32
      %dma_wait3A_19 = tpu.memref_slice %arg7[%scan3A_13, %dma_wait3A] : memref<20x256xi32, #tpu.memory_space<vmem>> -> memref<1x256xi32, #tpu.memory_space<vmem>>
      %dma_wait3A_20 = tpu.memref_squeeze %dma_wait3A_19 : memref<1x256xi32, #tpu.memory_space<vmem>> -> memref<256xi32, #tpu.memory_space<vmem>>
      %dma_wait3A_21 = arith.constant 0 : i32
      %dma_wait3A_22 = arith.constant 0 : i32
      %dma_wait3A_23 = tpu.memref_slice %arg2[%dma_wait3A_21, %dma_wait3A_22] : memref<10240x96xf32, #tpu.memory_space<hbm>> -> memref<10240x96xf32, #tpu.memory_space<hbm>>
      tpu.wait_indirect_dma semaphore(%arg11 : memref<!tpu.dma_semaphore, #tpu.memory_space<semaphore_mem>>) src(%dma_wait3A_23 : memref<10240x96xf32, #tpu.memory_space<hbm>>) dst(%arg9 : memref<256x96xf32, #tpu.memory_space<vmem>>)
      "tpu.region"() ({
        %run_scoped3A = tpu.sem_alloc : memref<!tpu.dma_semaphore, #tpu.memory_space<semaphore_mem>>
        %dma_start3A_24 = arith.constant 0 : i32
        %dma_start3A_25 = tpu.memref_slice %arg8[%scan3A_13, %dma_start3A_24] : memref<20x256xi32, #tpu.memory_space<vmem>> -> memref<1x256xi32, #tpu.memory_space<vmem>>
        %dma_start3A_26 = tpu.memref_squeeze %dma_start3A_25 : memref<1x256xi32, #tpu.memory_space<vmem>> -> memref<256xi32, #tpu.memory_space<vmem>>
        %dma_start3A_27 = arith.constant 0 : i32
        %dma_start3A_28 = arith.constant 0 : i32
        %dma_start3A_29 = tpu.memref_slice %arg10[%dma_start3A_27, %dma_start3A_28] : memref<10240x96xf32, #tpu.memory_space<vmem_shared>> -> memref<10240x96xf32, #tpu.memory_space<vmem_shared>>
        tpu.enqueue_indirect_dma source(%arg9 : memref<256x96xf32, #tpu.memory_space<vmem>>) target(%dma_start3A_29 : memref<10240x96xf32, #tpu.memory_space<vmem_shared>>) offsets(%dma_start3A_26 : memref<256xi32, #tpu.memory_space<vmem>>) semaphore(%run_scoped3A : memref<!tpu.dma_semaphore, #tpu.memory_space<semaphore_mem>>) {add = true}
        %dma_wait3A_30 = arith.constant 0 : i32
        %dma_wait3A_31 = tpu.memref_slice %arg8[%scan3A_13, %dma_wait3A_30] : memref<20x256xi32, #tpu.memory_space<vmem>> -> memref<1x256xi32, #tpu.memory_space<vmem>>
        %dma_wait3A_32 = tpu.memref_squeeze %dma_wait3A_31 : memref<1x256xi32, #tpu.memory_space<vmem>> -> memref<256xi32, #tpu.memory_space<vmem>>
        %dma_wait3A_33 = arith.constant 0 : i32
        %dma_wait3A_34 = arith.constant 0 : i32
        %dma_wait3A_35 = tpu.memref_slice %arg10[%dma_wait3A_33, %dma_wait3A_34] : memref<10240x96xf32, #tpu.memory_space<vmem_shared>> -> memref<10240x96xf32, #tpu.memory_space<vmem_shared>>
        tpu.wait_indirect_dma semaphore(%run_scoped3A : memref<!tpu.dma_semaphore, #tpu.memory_space<semaphore_mem>>) src(%arg9 : memref<256x96xf32, #tpu.memory_space<vmem>>) dst(%dma_wait3A_35 : memref<10240x96xf32, #tpu.memory_space<vmem_shared>>)
        tpu.yield
      }) : () -> ()
    }
    %scan3A_7 = arith.constant 20 : i32
    %barrier3A_8 = arith.constant 0 : index
    tpu.barrier barrier_id(%barrier3A_8)
    %mul3A_9 = arith.constant 640 : i32
    %mul3A_10 = arith.muli %arg1, %mul3A_9 : i32
    %mul3A_11 = arith.constant 640 : i32
    %mul3A_12 = arith.muli %arg1, %mul3A_11 : i32
    "tpu.region"() ({
      %run_scoped3A = tpu.sem_alloc : memref<!tpu.dma_semaphore, #tpu.memory_space<semaphore_mem>>
      %dma_start3A = arith.constant 0 : i32
      %dma_start3A_13 = tpu.memref_slice %arg6[%arg0, %mul3A_12, %dma_start3A] : memref<2x10240x96xf32, #tpu.memory_space<hbm>> -> memref<1x640x96xf32, #tpu.memory_space<hbm>>
      %dma_start3A_14 = tpu.memref_squeeze %dma_start3A_13 : memref<1x640x96xf32, #tpu.memory_space<hbm>> -> memref<640x96xf32, #tpu.memory_space<hbm>>
      %dma_start3A_15 = arith.constant 0 : i32
      %dma_start3A_16 = tpu.memref_slice %arg10[%mul3A_10, %dma_start3A_15] : memref<10240x96xf32, #tpu.memory_space<vmem_shared>> -> memref<640x96xf32, #tpu.memory_space<vmem_shared>>
      tpu.enqueue_dma source(%dma_start3A_16 : memref<640x96xf32, #tpu.memory_space<vmem_shared>>) target(%dma_start3A_14 : memref<640x96xf32, #tpu.memory_space<hbm>>) target_semaphore(%run_scoped3A : memref<!tpu.dma_semaphore, #tpu.memory_space<semaphore_mem>>)
      %dma_wait3A = arith.constant 0 : i32
      %dma_wait3A_17 = tpu.memref_slice %arg6[%arg0, %mul3A_12, %dma_wait3A] : memref<2x10240x96xf32, #tpu.memory_space<hbm>> -> memref<1x640x96xf32, #tpu.memory_space<hbm>>
      %dma_wait3A_18 = tpu.memref_squeeze %dma_wait3A_17 : memref<1x640x96xf32, #tpu.memory_space<hbm>> -> memref<640x96xf32, #tpu.memory_space<hbm>>
      %dma_wait3A_19 = arith.constant 0 : i32
      %dma_wait3A_20 = tpu.memref_slice %arg10[%mul3A_10, %dma_wait3A_19] : memref<10240x96xf32, #tpu.memory_space<vmem_shared>> -> memref<640x96xf32, #tpu.memory_space<vmem_shared>>
      tpu.wait_dma2 semaphore(%run_scoped3A : memref<!tpu.dma_semaphore, #tpu.memory_space<semaphore_mem>>) src(%dma_wait3A_20 : memref<640x96xf32, #tpu.memory_space<vmem_shared>>) dst(%dma_wait3A_18 : memref<640x96xf32, #tpu.memory_space<hbm>>)
      tpu.yield
    }) : () -> ()
    return
  }
}

#map = affine_map<(d0, d1) -> (0, 0)>
#map1 = affine_map<(d0, d1) -> (0, 0, 0)>
module attributes {stable_mosaic.version = 14 : i64} {
  func.func @hop(%arg0: i32, %arg1: i32, %arg2: memref<10240x48xf32, #tpu.memory_space<hbm>>, %arg3: memref<32x20x256xi32, #tpu.memory_space<hbm>>, %arg4: memref<32x20x256xi32, #tpu.memory_space<hbm>>, %arg5: memref<640x48xf32, #tpu.memory_space<hbm>>, %arg6: memref<2x10240x48xf32, #tpu.memory_space<hbm>>, %arg7: memref<20x256xi32, #tpu.memory_space<vmem>>, %arg8: memref<20x256xi32, #tpu.memory_space<vmem>>, %arg9: memref<256x48xf32, #tpu.memory_space<vmem>>, %arg10: memref<10240x48xf32, #tpu.memory_space<vmem_shared>>, %arg11: memref<!tpu.dma_semaphore, #tpu.memory_space<semaphore_mem>>) attributes {dimension_semantics = [#tpu.dimension_semantics<core_parallel>, #tpu.dimension_semantics<subcore_parallel>], iteration_bounds = array<i64: 2, 16>, scalar_prefetch = 0 : i64, scratch_operands = 5 : i64, tpu.core_type = #tpu.core_type<sc_vector_subcore>, window_params = [{transform_indices = #map}, {transform_indices = #map1}, {transform_indices = #map1}, {transform_indices = #map}, {transform_indices = #map1}]} {
    %mul3A = arith.constant 16 : i32
    %mul3A_0 = arith.muli %arg0, %mul3A : i32
    %add3A = arith.addi %mul3A_0, %arg1 : i32
    "tpu.region"() ({
      %run_scoped3A = tpu.sem_alloc : memref<!tpu.dma_semaphore, #tpu.memory_space<semaphore_mem>>
      %dma_start3A = arith.constant 0 : i32
      %dma_start3A_13 = arith.constant 0 : i32
      %dma_start3A_14 = tpu.memref_slice %arg3[%add3A, %dma_start3A, %dma_start3A_13] : memref<32x20x256xi32, #tpu.memory_space<hbm>> -> memref<1x20x256xi32, #tpu.memory_space<hbm>>
      %dma_start3A_15 = tpu.memref_squeeze %dma_start3A_14 : memref<1x20x256xi32, #tpu.memory_space<hbm>> -> memref<20x256xi32, #tpu.memory_space<hbm>>
      %dma_start3A_16 = arith.constant 0 : i32
      %dma_start3A_17 = arith.constant 0 : i32
      %dma_start3A_18 = tpu.memref_slice %arg3[%add3A, %dma_start3A_16, %dma_start3A_17] : memref<32x20x256xi32, #tpu.memory_space<hbm>> -> memref<1x20x256xi32, #tpu.memory_space<hbm>>
      %dma_start3A_19 = tpu.memref_squeeze %dma_start3A_18 : memref<1x20x256xi32, #tpu.memory_space<hbm>> -> memref<20x256xi32, #tpu.memory_space<hbm>>
      tpu.enqueue_dma source(%dma_start3A_19 : memref<20x256xi32, #tpu.memory_space<hbm>>) target(%arg7 : memref<20x256xi32, #tpu.memory_space<vmem>>) target_semaphore(%run_scoped3A : memref<!tpu.dma_semaphore, #tpu.memory_space<semaphore_mem>>)
      %dma_wait3A = arith.constant 0 : i32
      %dma_wait3A_20 = arith.constant 0 : i32
      %dma_wait3A_21 = tpu.memref_slice %arg3[%add3A, %dma_wait3A, %dma_wait3A_20] : memref<32x20x256xi32, #tpu.memory_space<hbm>> -> memref<1x20x256xi32, #tpu.memory_space<hbm>>
      %dma_wait3A_22 = tpu.memref_squeeze %dma_wait3A_21 : memref<1x20x256xi32, #tpu.memory_space<hbm>> -> memref<20x256xi32, #tpu.memory_space<hbm>>
      %dma_wait3A_23 = arith.constant 0 : i32
      %dma_wait3A_24 = arith.constant 0 : i32
      %dma_wait3A_25 = tpu.memref_slice %arg3[%add3A, %dma_wait3A_23, %dma_wait3A_24] : memref<32x20x256xi32, #tpu.memory_space<hbm>> -> memref<1x20x256xi32, #tpu.memory_space<hbm>>
      %dma_wait3A_26 = tpu.memref_squeeze %dma_wait3A_25 : memref<1x20x256xi32, #tpu.memory_space<hbm>> -> memref<20x256xi32, #tpu.memory_space<hbm>>
      tpu.wait_dma2 semaphore(%run_scoped3A : memref<!tpu.dma_semaphore, #tpu.memory_space<semaphore_mem>>) src(%dma_wait3A_26 : memref<20x256xi32, #tpu.memory_space<hbm>>) dst(%arg7 : memref<20x256xi32, #tpu.memory_space<vmem>>)
      tpu.yield
    }) : () -> ()
    "tpu.region"() ({
      %run_scoped3A = tpu.sem_alloc : memref<!tpu.dma_semaphore, #tpu.memory_space<semaphore_mem>>
      %dma_start3A = arith.constant 0 : i32
      %dma_start3A_13 = arith.constant 0 : i32
      %dma_start3A_14 = tpu.memref_slice %arg4[%add3A, %dma_start3A, %dma_start3A_13] : memref<32x20x256xi32, #tpu.memory_space<hbm>> -> memref<1x20x256xi32, #tpu.memory_space<hbm>>
      %dma_start3A_15 = tpu.memref_squeeze %dma_start3A_14 : memref<1x20x256xi32, #tpu.memory_space<hbm>> -> memref<20x256xi32, #tpu.memory_space<hbm>>
      %dma_start3A_16 = arith.constant 0 : i32
      %dma_start3A_17 = arith.constant 0 : i32
      %dma_start3A_18 = tpu.memref_slice %arg4[%add3A, %dma_start3A_16, %dma_start3A_17] : memref<32x20x256xi32, #tpu.memory_space<hbm>> -> memref<1x20x256xi32, #tpu.memory_space<hbm>>
      %dma_start3A_19 = tpu.memref_squeeze %dma_start3A_18 : memref<1x20x256xi32, #tpu.memory_space<hbm>> -> memref<20x256xi32, #tpu.memory_space<hbm>>
      tpu.enqueue_dma source(%dma_start3A_19 : memref<20x256xi32, #tpu.memory_space<hbm>>) target(%arg8 : memref<20x256xi32, #tpu.memory_space<vmem>>) target_semaphore(%run_scoped3A : memref<!tpu.dma_semaphore, #tpu.memory_space<semaphore_mem>>)
      %dma_wait3A = arith.constant 0 : i32
      %dma_wait3A_20 = arith.constant 0 : i32
      %dma_wait3A_21 = tpu.memref_slice %arg4[%add3A, %dma_wait3A, %dma_wait3A_20] : memref<32x20x256xi32, #tpu.memory_space<hbm>> -> memref<1x20x256xi32, #tpu.memory_space<hbm>>
      %dma_wait3A_22 = tpu.memref_squeeze %dma_wait3A_21 : memref<1x20x256xi32, #tpu.memory_space<hbm>> -> memref<20x256xi32, #tpu.memory_space<hbm>>
      %dma_wait3A_23 = arith.constant 0 : i32
      %dma_wait3A_24 = arith.constant 0 : i32
      %dma_wait3A_25 = tpu.memref_slice %arg4[%add3A, %dma_wait3A_23, %dma_wait3A_24] : memref<32x20x256xi32, #tpu.memory_space<hbm>> -> memref<1x20x256xi32, #tpu.memory_space<hbm>>
      %dma_wait3A_26 = tpu.memref_squeeze %dma_wait3A_25 : memref<1x20x256xi32, #tpu.memory_space<hbm>> -> memref<20x256xi32, #tpu.memory_space<hbm>>
      tpu.wait_dma2 semaphore(%run_scoped3A : memref<!tpu.dma_semaphore, #tpu.memory_space<semaphore_mem>>) src(%dma_wait3A_26 : memref<20x256xi32, #tpu.memory_space<hbm>>) dst(%arg8 : memref<20x256xi32, #tpu.memory_space<vmem>>)
      tpu.yield
    }) : () -> ()
    %mul3A_1 = arith.constant 640 : i32
    %mul3A_2 = arith.muli %arg1, %mul3A_1 : i32
    "tpu.region"() ({
      %run_scoped3A = tpu.sem_alloc : memref<!tpu.dma_semaphore, #tpu.memory_space<semaphore_mem>>
      %dma_start3A = arith.constant 0 : i32
      %dma_start3A_13 = tpu.memref_slice %arg10[%mul3A_2, %dma_start3A] : memref<10240x48xf32, #tpu.memory_space<vmem_shared>> -> memref<640x48xf32, #tpu.memory_space<vmem_shared>>
      tpu.enqueue_dma source(%arg5 : memref<640x48xf32, #tpu.memory_space<hbm>>) target(%dma_start3A_13 : memref<640x48xf32, #tpu.memory_space<vmem_shared>>) target_semaphore(%run_scoped3A : memref<!tpu.dma_semaphore, #tpu.memory_space<semaphore_mem>>)
      %dma_wait3A = arith.constant 0 : i32
      %dma_wait3A_14 = tpu.memref_slice %arg10[%mul3A_2, %dma_wait3A] : memref<10240x48xf32, #tpu.memory_space<vmem_shared>> -> memref<640x48xf32, #tpu.memory_space<vmem_shared>>
      tpu.wait_dma2 semaphore(%run_scoped3A : memref<!tpu.dma_semaphore, #tpu.memory_space<semaphore_mem>>) src(%arg5 : memref<640x48xf32, #tpu.memory_space<hbm>>) dst(%dma_wait3A_14 : memref<640x48xf32, #tpu.memory_space<vmem_shared>>)
      tpu.yield
    }) : () -> ()
    %barrier3A = arith.constant 0 : index
    tpu.barrier barrier_id(%barrier3A)
    %scan3A = arith.constant 0 : i32
    %scan3A_3 = arith.constant 0 : i32
    %scan3A_4 = arith.constant 20 : i32
    %scan3A_5 = arith.addi %scan3A_3, %scan3A_4 : i32
    %scan3A_6 = arith.constant 1 : i32
    scf.for %scan3A_13 = %scan3A_3 to %scan3A_5 step %scan3A_6  : i32 {
      %dma_start3A = arith.constant 0 : i32
      %dma_start3A_14 = tpu.memref_slice %arg7[%scan3A_13, %dma_start3A] : memref<20x256xi32, #tpu.memory_space<vmem>> -> memref<1x256xi32, #tpu.memory_space<vmem>>
      %dma_start3A_15 = tpu.memref_squeeze %dma_start3A_14 : memref<1x256xi32, #tpu.memory_space<vmem>> -> memref<256xi32, #tpu.memory_space<vmem>>
      %dma_start3A_16 = arith.constant 0 : i32
      %dma_start3A_17 = arith.constant 0 : i32
      %dma_start3A_18 = tpu.memref_slice %arg2[%dma_start3A_16, %dma_start3A_17] : memref<10240x48xf32, #tpu.memory_space<hbm>> -> memref<10240x48xf32, #tpu.memory_space<hbm>>
      tpu.enqueue_indirect_dma source(%dma_start3A_18 : memref<10240x48xf32, #tpu.memory_space<hbm>>) target(%arg9 : memref<256x48xf32, #tpu.memory_space<vmem>>) offsets(%dma_start3A_15 : memref<256xi32, #tpu.memory_space<vmem>>) semaphore(%arg11 : memref<!tpu.dma_semaphore, #tpu.memory_space<semaphore_mem>>)
      %dma_wait3A = arith.constant 0 : i32
      %dma_wait3A_19 = tpu.memref_slice %arg7[%scan3A_13, %dma_wait3A] : memref<20x256xi32, #tpu.memory_space<vmem>> -> memref<1x256xi32, #tpu.memory_space<vmem>>
      %dma_wait3A_20 = tpu.memref_squeeze %dma_wait3A_19 : memref<1x256xi32, #tpu.memory_space<vmem>> -> memref<256xi32, #tpu.memory_space<vmem>>
      %dma_wait3A_21 = arith.constant 0 : i32
      %dma_wait3A_22 = arith.constant 0 : i32
      %dma_wait3A_23 = tpu.memref_slice %arg2[%dma_wait3A_21, %dma_wait3A_22] : memref<10240x48xf32, #tpu.memory_space<hbm>> -> memref<10240x48xf32, #tpu.memory_space<hbm>>
      tpu.wait_indirect_dma semaphore(%arg11 : memref<!tpu.dma_semaphore, #tpu.memory_space<semaphore_mem>>) src(%dma_wait3A_23 : memref<10240x48xf32, #tpu.memory_space<hbm>>) dst(%arg9 : memref<256x48xf32, #tpu.memory_space<vmem>>)
      "tpu.region"() ({
        %run_scoped3A = tpu.sem_alloc : memref<!tpu.dma_semaphore, #tpu.memory_space<semaphore_mem>>
        %dma_start3A_24 = arith.constant 0 : i32
        %dma_start3A_25 = tpu.memref_slice %arg8[%scan3A_13, %dma_start3A_24] : memref<20x256xi32, #tpu.memory_space<vmem>> -> memref<1x256xi32, #tpu.memory_space<vmem>>
        %dma_start3A_26 = tpu.memref_squeeze %dma_start3A_25 : memref<1x256xi32, #tpu.memory_space<vmem>> -> memref<256xi32, #tpu.memory_space<vmem>>
        %dma_start3A_27 = arith.constant 0 : i32
        %dma_start3A_28 = arith.constant 0 : i32
        %dma_start3A_29 = tpu.memref_slice %arg10[%dma_start3A_27, %dma_start3A_28] : memref<10240x48xf32, #tpu.memory_space<vmem_shared>> -> memref<10240x48xf32, #tpu.memory_space<vmem_shared>>
        tpu.enqueue_indirect_dma source(%arg9 : memref<256x48xf32, #tpu.memory_space<vmem>>) target(%dma_start3A_29 : memref<10240x48xf32, #tpu.memory_space<vmem_shared>>) offsets(%dma_start3A_26 : memref<256xi32, #tpu.memory_space<vmem>>) semaphore(%run_scoped3A : memref<!tpu.dma_semaphore, #tpu.memory_space<semaphore_mem>>) {add = true}
        %dma_wait3A_30 = arith.constant 0 : i32
        %dma_wait3A_31 = tpu.memref_slice %arg8[%scan3A_13, %dma_wait3A_30] : memref<20x256xi32, #tpu.memory_space<vmem>> -> memref<1x256xi32, #tpu.memory_space<vmem>>
        %dma_wait3A_32 = tpu.memref_squeeze %dma_wait3A_31 : memref<1x256xi32, #tpu.memory_space<vmem>> -> memref<256xi32, #tpu.memory_space<vmem>>
        %dma_wait3A_33 = arith.constant 0 : i32
        %dma_wait3A_34 = arith.constant 0 : i32
        %dma_wait3A_35 = tpu.memref_slice %arg10[%dma_wait3A_33, %dma_wait3A_34] : memref<10240x48xf32, #tpu.memory_space<vmem_shared>> -> memref<10240x48xf32, #tpu.memory_space<vmem_shared>>
        tpu.wait_indirect_dma semaphore(%run_scoped3A : memref<!tpu.dma_semaphore, #tpu.memory_space<semaphore_mem>>) src(%arg9 : memref<256x48xf32, #tpu.memory_space<vmem>>) dst(%dma_wait3A_35 : memref<10240x48xf32, #tpu.memory_space<vmem_shared>>)
        tpu.yield
      }) : () -> ()
    }
    %scan3A_7 = arith.constant 20 : i32
    %barrier3A_8 = arith.constant 0 : index
    tpu.barrier barrier_id(%barrier3A_8)
    %mul3A_9 = arith.constant 640 : i32
    %mul3A_10 = arith.muli %arg1, %mul3A_9 : i32
    %mul3A_11 = arith.constant 640 : i32
    %mul3A_12 = arith.muli %arg1, %mul3A_11 : i32
    "tpu.region"() ({
      %run_scoped3A = tpu.sem_alloc : memref<!tpu.dma_semaphore, #tpu.memory_space<semaphore_mem>>
      %dma_start3A = arith.constant 0 : i32
      %dma_start3A_13 = tpu.memref_slice %arg6[%arg0, %mul3A_12, %dma_start3A] : memref<2x10240x48xf32, #tpu.memory_space<hbm>> -> memref<1x640x48xf32, #tpu.memory_space<hbm>>
      %dma_start3A_14 = tpu.memref_squeeze %dma_start3A_13 : memref<1x640x48xf32, #tpu.memory_space<hbm>> -> memref<640x48xf32, #tpu.memory_space<hbm>>
      %dma_start3A_15 = arith.constant 0 : i32
      %dma_start3A_16 = tpu.memref_slice %arg10[%mul3A_10, %dma_start3A_15] : memref<10240x48xf32, #tpu.memory_space<vmem_shared>> -> memref<640x48xf32, #tpu.memory_space<vmem_shared>>
      tpu.enqueue_dma source(%dma_start3A_16 : memref<640x48xf32, #tpu.memory_space<vmem_shared>>) target(%dma_start3A_14 : memref<640x48xf32, #tpu.memory_space<hbm>>) target_semaphore(%run_scoped3A : memref<!tpu.dma_semaphore, #tpu.memory_space<semaphore_mem>>)
      %dma_wait3A = arith.constant 0 : i32
      %dma_wait3A_17 = tpu.memref_slice %arg6[%arg0, %mul3A_12, %dma_wait3A] : memref<2x10240x48xf32, #tpu.memory_space<hbm>> -> memref<1x640x48xf32, #tpu.memory_space<hbm>>
      %dma_wait3A_18 = tpu.memref_squeeze %dma_wait3A_17 : memref<1x640x48xf32, #tpu.memory_space<hbm>> -> memref<640x48xf32, #tpu.memory_space<hbm>>
      %dma_wait3A_19 = arith.constant 0 : i32
      %dma_wait3A_20 = tpu.memref_slice %arg10[%mul3A_10, %dma_wait3A_19] : memref<10240x48xf32, #tpu.memory_space<vmem_shared>> -> memref<640x48xf32, #tpu.memory_space<vmem_shared>>
      tpu.wait_dma2 semaphore(%run_scoped3A : memref<!tpu.dma_semaphore, #tpu.memory_space<semaphore_mem>>) src(%dma_wait3A_20 : memref<640x48xf32, #tpu.memory_space<vmem_shared>>) dst(%dma_wait3A_18 : memref<640x48xf32, #tpu.memory_space<hbm>>)
      tpu.yield
    }) : () -> ()
    return
  }
}

module attributes {stable_mosaic.version = 14 : i64} {
  func.func @_dense_body(%arg0: i32, %arg1: memref<512x256xf32, #tpu.memory_space<vmem>>, %arg2: memref<256x256xf32, #tpu.memory_space<vmem>>, %arg3: memref<256x256xf32, #tpu.memory_space<vmem>>, %arg4: memref<256x256xf32, #tpu.memory_space<vmem>>, %arg5: memref<256x256xf32, #tpu.memory_space<vmem>>, %arg6: memref<256x256xf32, #tpu.memory_space<vmem>>, %arg7: memref<256x256xf32, #tpu.memory_space<vmem>>, %arg8: memref<256x256xf32, #tpu.memory_space<vmem>>, %arg9: memref<256x256xf32, #tpu.memory_space<vmem>>, %arg10: memref<256x256xf32, #tpu.memory_space<vmem>>, %arg11: memref<1x256xf32, #tpu.memory_space<vmem>>, %arg12: memref<1x256xf32, #tpu.memory_space<vmem>>, %arg13: memref<1x256xf32, #tpu.memory_space<vmem>>, %arg14: memref<1x256xf32, #tpu.memory_space<vmem>>, %arg15: memref<1x256xf32, #tpu.memory_space<vmem>>, %arg16: memref<1x256xf32, #tpu.memory_space<vmem>>, %arg17: memref<1x256xf32, #tpu.memory_space<vmem>>, %arg18: memref<1x256xf32, #tpu.memory_space<vmem>>, %arg19: memref<1x256xf32, #tpu.memory_space<vmem>>, %arg20: memref<768x40xf32, #tpu.memory_space<vmem>>, %arg21: memref<3x3xf32, #tpu.memory_space<smem>>, %arg22: memref<3x4xf32, #tpu.memory_space<smem>>, %arg23: memref<512x16xf32, #tpu.memory_space<vmem>>, %arg24: memref<512x16xf32, #tpu.memory_space<vmem>>, %arg25: memref<512x48xf32, #tpu.memory_space<vmem>>, %arg26: memref<512x48xf32, #tpu.memory_space<vmem>>, %arg27: memref<512x48xf32, #tpu.memory_space<vmem>>, %arg28: memref<512x48xf32, #tpu.memory_space<vmem>>, %arg29: memref<512x48xf32, #tpu.memory_space<vmem>>, %arg30: memref<512x48xf32, #tpu.memory_space<vmem>>, %arg31: memref<512x48xf32, #tpu.memory_space<vmem>>, %arg32: memref<512x48xf32, #tpu.memory_space<vmem>>, %arg33: memref<512x48xf32, #tpu.memory_space<vmem>>) attributes {dimension_semantics = [#tpu.dimension_semantics<arbitrary>], iteration_bounds = array<i64: 20>, scalar_prefetch = 0 : i64, scratch_operands = 0 : i64, tpu.core_type = #tpu.core_type<tc>, window_params = [{transform_indices = @transform_0, window_bounds = array<i64: 512, 256>}, {pipeline_mode = #tpu.pipeline_mode<synchronous>, transform_indices = @transform_1, window_bounds = array<i64: 256, 256>}, {pipeline_mode = #tpu.pipeline_mode<synchronous>, transform_indices = @transform_2, window_bounds = array<i64: 256, 256>}, {pipeline_mode = #tpu.pipeline_mode<synchronous>, transform_indices = @transform_3, window_bounds = array<i64: 256, 256>}, {pipeline_mode = #tpu.pipeline_mode<synchronous>, transform_indices = @transform_4, window_bounds = array<i64: 256, 256>}, {pipeline_mode = #tpu.pipeline_mode<synchronous>, transform_indices = @transform_5, window_bounds = array<i64: 256, 256>}, {pipeline_mode = #tpu.pipeline_mode<synchronous>, transform_indices = @transform_6, window_bounds = array<i64: 256, 256>}, {pipeline_mode = #tpu.pipeline_mode<synchronous>, transform_indices = @transform_7, window_bounds = array<i64: 256, 256>}, {pipeline_mode = #tpu.pipeline_mode<synchronous>, transform_indices = @transform_8, window_bounds = array<i64: 256, 256>}, {pipeline_mode = #tpu.pipeline_mode<synchronous>, transform_indices = @transform_9, window_bounds = array<i64: 256, 256>}, {pipeline_mode = #tpu.pipeline_mode<synchronous>, transform_indices = @transform_10, window_bounds = array<i64: 1, 256>}, {pipeline_mode = #tpu.pipeline_mode<synchronous>, transform_indices = @transform_11, window_bounds = array<i64: 1, 256>}, {pipeline_mode = #tpu.pipeline_mode<synchronous>, transform_indices = @transform_12, window_bounds = array<i64: 1, 256>}, {pipeline_mode = #tpu.pipeline_mode<synchronous>, transform_indices = @transform_13, window_bounds = array<i64: 1, 256>}, {pipeline_mode = #tpu.pipeline_mode<synchronous>, transform_indices = @transform_14, window_bounds = array<i64: 1, 256>}, {pipeline_mode = #tpu.pipeline_mode<synchronous>, transform_indices = @transform_15, window_bounds = array<i64: 1, 256>}, {pipeline_mode = #tpu.pipeline_mode<synchronous>, transform_indices = @transform_16, window_bounds = array<i64: 1, 256>}, {pipeline_mode = #tpu.pipeline_mode<synchronous>, transform_indices = @transform_17, window_bounds = array<i64: 1, 256>}, {pipeline_mode = #tpu.pipeline_mode<synchronous>, transform_indices = @transform_18, window_bounds = array<i64: 1, 256>}, {pipeline_mode = #tpu.pipeline_mode<synchronous>, transform_indices = @transform_19, window_bounds = array<i64: 768, 40>}, {transform_indices = @transform_20, window_bounds = array<i64: 3, 3>}, {transform_indices = @transform_21, window_bounds = array<i64: 3, 4>}, {transform_indices = @transform_22, window_bounds = array<i64: 512, 16>}, {transform_indices = @transform_23, window_bounds = array<i64: 512, 16>}, {transform_indices = @transform_24, window_bounds = array<i64: 512, 48>}, {transform_indices = @transform_25, window_bounds = array<i64: 512, 48>}, {transform_indices = @transform_26, window_bounds = array<i64: 512, 48>}, {transform_indices = @transform_27, window_bounds = array<i64: 512, 48>}, {transform_indices = @transform_28, window_bounds = array<i64: 512, 48>}, {transform_indices = @transform_29, window_bounds = array<i64: 512, 48>}, {transform_indices = @transform_30, window_bounds = array<i64: 512, 48>}, {transform_indices = @transform_31, window_bounds = array<i64: 512, 48>}, {transform_indices = @transform_32, window_bounds = array<i64: 512, 48>}]} {
    %get3A = arith.constant 0 : index
    %get3A_0 = arith.constant 0 : index
    %get3A_1 = vector.load %arg1[%get3A, %get3A_0] : memref<512x256xf32, #tpu.memory_space<vmem>>, vector<512x256xf32>
    %get3A_2 = arith.constant 0 : index
    %get3A_3 = arith.constant 0 : index
    %get3A_4 = vector.load %arg20[%get3A_2, %get3A_3] : memref<768x40xf32, #tpu.memory_space<vmem>>, vector<256x40xf32>
    %get3A_5 = arith.constant 256 : index
    %get3A_6 = arith.constant 0 : index
    %get3A_7 = vector.load %arg20[%get3A_5, %get3A_6] : memref<768x40xf32, #tpu.memory_space<vmem>>, vector<256x40xf32>
    %get3A_8 = arith.constant 512 : index
    %get3A_9 = arith.constant 0 : index
    %get3A_10 = vector.load %arg20[%get3A_8, %get3A_9] : memref<768x40xf32, #tpu.memory_space<vmem>>, vector<256x40xf32>
    %get3A_11 = arith.constant 0 : index
    %get3A_12 = arith.constant 0 : index
    %get3A_13 = vector.load %arg2[%get3A_11, %get3A_12] : memref<256x256xf32, #tpu.memory_space<vmem>>, vector<256x256xf32>
    %dot_general3A = arith.constant dense<0.000000e+00> : vector<512x256xf32>
    %dot_general3A_14 = tpu.matmul %get3A_1, %get3A_13, %dot_general3A {dimension_numbers = #tpu.dot_dimension_numbers<[1], [0], [0], [1], [0, 0, 1, 1], [], []>, transpose_lhs_hint = false} : vector<512x256xf32>, vector<256x256xf32>, vector<512x256xf32> -> vector<512x256xf32>
    %get3A_15 = arith.constant 0 : index
    %get3A_16 = arith.constant 0 : index
    %get3A_17 = vector.load %arg11[%get3A_15, %get3A_16] : memref<1x256xf32, #tpu.memory_space<vmem>>, vector<1x256xf32>
    %add3A = vector.broadcast %get3A_17 : vector<1x256xf32> to vector<512x256xf32>
    %add3A_18 = arith.addf %dot_general3A_14, %add3A : vector<512x256xf32>
    %max3A = arith.constant 0.000000e+00 : f32
    %max3A_19 = vector.broadcast %max3A : f32 to vector<512x256xf32>
    %max3A_20 = arith.maximumf %add3A_18, %max3A_19 : vector<512x256xf32>
    %dot_general3A_21 = arith.constant dense<0.000000e+00> : vector<512x40xf32>
    %dot_general3A_22 = tpu.matmul %max3A_20, %get3A_4, %dot_general3A_21 {dimension_numbers = #tpu.dot_dimension_numbers<[1], [0], [0], [1], [0, 0, 1, 1], [], []>, transpose_lhs_hint = false} : vector<512x256xf32>, vector<256x40xf32>, vector<512x40xf32> -> vector<512x40xf32>
    %get3A_23 = arith.constant 0 : index
    %get3A_24 = arith.constant 0 : index
    %get3A_25 = vector.load %arg3[%get3A_23, %get3A_24] : memref<256x256xf32, #tpu.memory_space<vmem>>, vector<256x256xf32>
    %dot_general3A_26 = arith.constant dense<0.000000e+00> : vector<512x256xf32>
    %dot_general3A_27 = tpu.matmul %get3A_1, %get3A_25, %dot_general3A_26 {dimension_numbers = #tpu.dot_dimension_numbers<[1], [0], [0], [1], [0, 0, 1, 1], [], []>, transpose_lhs_hint = false} : vector<512x256xf32>, vector<256x256xf32>, vector<512x256xf32> -> vector<512x256xf32>
    %get3A_28 = arith.constant 0 : index
    %get3A_29 = arith.constant 0 : index
    %get3A_30 = vector.load %arg12[%get3A_28, %get3A_29] : memref<1x256xf32, #tpu.memory_space<vmem>>, vector<1x256xf32>
    %add3A_31 = vector.broadcast %get3A_30 : vector<1x256xf32> to vector<512x256xf32>
    %add3A_32 = arith.addf %dot_general3A_27, %add3A_31 : vector<512x256xf32>
    %max3A_33 = arith.constant 0.000000e+00 : f32
    %max3A_34 = vector.broadcast %max3A_33 : f32 to vector<512x256xf32>
    %max3A_35 = arith.maximumf %add3A_32, %max3A_34 : vector<512x256xf32>
    %dot_general3A_36 = arith.constant dense<0.000000e+00> : vector<512x40xf32>
    %dot_general3A_37 = tpu.matmul %max3A_35, %get3A_7, %dot_general3A_36 {dimension_numbers = #tpu.dot_dimension_numbers<[1], [0], [0], [1], [0, 0, 1, 1], [], []>, transpose_lhs_hint = false} : vector<512x256xf32>, vector<256x40xf32>, vector<512x40xf32> -> vector<512x40xf32>
    %get3A_38 = arith.constant 0 : index
    %get3A_39 = arith.constant 0 : index
    %get3A_40 = vector.load %arg4[%get3A_38, %get3A_39] : memref<256x256xf32, #tpu.memory_space<vmem>>, vector<256x256xf32>
    %dot_general3A_41 = arith.constant dense<0.000000e+00> : vector<512x256xf32>
    %dot_general3A_42 = tpu.matmul %get3A_1, %get3A_40, %dot_general3A_41 {dimension_numbers = #tpu.dot_dimension_numbers<[1], [0], [0], [1], [0, 0, 1, 1], [], []>, transpose_lhs_hint = false} : vector<512x256xf32>, vector<256x256xf32>, vector<512x256xf32> -> vector<512x256xf32>
    %get3A_43 = arith.constant 0 : index
    %get3A_44 = arith.constant 0 : index
    %get3A_45 = vector.load %arg13[%get3A_43, %get3A_44] : memref<1x256xf32, #tpu.memory_space<vmem>>, vector<1x256xf32>
    %add3A_46 = vector.broadcast %get3A_45 : vector<1x256xf32> to vector<512x256xf32>
    %add3A_47 = arith.addf %dot_general3A_42, %add3A_46 : vector<512x256xf32>
    %max3A_48 = arith.constant 0.000000e+00 : f32
    %max3A_49 = vector.broadcast %max3A_48 : f32 to vector<512x256xf32>
    %max3A_50 = arith.maximumf %add3A_47, %max3A_49 : vector<512x256xf32>
    %dot_general3A_51 = arith.constant dense<0.000000e+00> : vector<512x40xf32>
    %dot_general3A_52 = tpu.matmul %max3A_50, %get3A_10, %dot_general3A_51 {dimension_numbers = #tpu.dot_dimension_numbers<[1], [0], [0], [1], [0, 0, 1, 1], [], []>, transpose_lhs_hint = false} : vector<512x256xf32>, vector<256x40xf32>, vector<512x40xf32> -> vector<512x40xf32>
    %get3A_53 = arith.constant 0 : index
    %get3A_54 = arith.constant 0 : index
    %get3A_55 = vector.load %arg5[%get3A_53, %get3A_54] : memref<256x256xf32, #tpu.memory_space<vmem>>, vector<256x256xf32>
    %dot_general3A_56 = arith.constant dense<0.000000e+00> : vector<512x256xf32>
    %dot_general3A_57 = tpu.matmul %get3A_1, %get3A_55, %dot_general3A_56 {dimension_numbers = #tpu.dot_dimension_numbers<[1], [0], [0], [1], [0, 0, 1, 1], [], []>, transpose_lhs_hint = false} : vector<512x256xf32>, vector<256x256xf32>, vector<512x256xf32> -> vector<512x256xf32>
    %get3A_58 = arith.constant 0 : index
    %get3A_59 = arith.constant 0 : index
    %get3A_60 = vector.load %arg14[%get3A_58, %get3A_59] : memref<1x256xf32, #tpu.memory_space<vmem>>, vector<1x256xf32>
    %add3A_61 = vector.broadcast %get3A_60 : vector<1x256xf32> to vector<512x256xf32>
    %add3A_62 = arith.addf %dot_general3A_57, %add3A_61 : vector<512x256xf32>
    %max3A_63 = arith.constant 0.000000e+00 : f32
    %max3A_64 = vector.broadcast %max3A_63 : f32 to vector<512x256xf32>
    %max3A_65 = arith.maximumf %add3A_62, %max3A_64 : vector<512x256xf32>
    %dot_general3A_66 = arith.constant dense<0.000000e+00> : vector<512x40xf32>
    %dot_general3A_67 = tpu.matmul %max3A_65, %get3A_4, %dot_general3A_66 {dimension_numbers = #tpu.dot_dimension_numbers<[1], [0], [0], [1], [0, 0, 1, 1], [], []>, transpose_lhs_hint = false} : vector<512x256xf32>, vector<256x40xf32>, vector<512x40xf32> -> vector<512x40xf32>
    %get3A_68 = arith.constant 0 : index
    %get3A_69 = arith.constant 0 : index
    %get3A_70 = vector.load %arg6[%get3A_68, %get3A_69] : memref<256x256xf32, #tpu.memory_space<vmem>>, vector<256x256xf32>
    %dot_general3A_71 = arith.constant dense<0.000000e+00> : vector<512x256xf32>
    %dot_general3A_72 = tpu.matmul %get3A_1, %get3A_70, %dot_general3A_71 {dimension_numbers = #tpu.dot_dimension_numbers<[1], [0], [0], [1], [0, 0, 1, 1], [], []>, transpose_lhs_hint = false} : vector<512x256xf32>, vector<256x256xf32>, vector<512x256xf32> -> vector<512x256xf32>
    %get3A_73 = arith.constant 0 : index
    %get3A_74 = arith.constant 0 : index
    %get3A_75 = vector.load %arg15[%get3A_73, %get3A_74] : memref<1x256xf32, #tpu.memory_space<vmem>>, vector<1x256xf32>
    %add3A_76 = vector.broadcast %get3A_75 : vector<1x256xf32> to vector<512x256xf32>
    %add3A_77 = arith.addf %dot_general3A_72, %add3A_76 : vector<512x256xf32>
    %max3A_78 = arith.constant 0.000000e+00 : f32
    %max3A_79 = vector.broadcast %max3A_78 : f32 to vector<512x256xf32>
    %max3A_80 = arith.maximumf %add3A_77, %max3A_79 : vector<512x256xf32>
    %dot_general3A_81 = arith.constant dense<0.000000e+00> : vector<512x40xf32>
    %dot_general3A_82 = tpu.matmul %max3A_80, %get3A_7, %dot_general3A_81 {dimension_numbers = #tpu.dot_dimension_numbers<[1], [0], [0], [1], [0, 0, 1, 1], [], []>, transpose_lhs_hint = false} : vector<512x256xf32>, vector<256x40xf32>, vector<512x40xf32> -> vector<512x40xf32>
    %get3A_83 = arith.constant 0 : index
    %get3A_84 = arith.constant 0 : index
    %get3A_85 = vector.load %arg7[%get3A_83, %get3A_84] : memref<256x256xf32, #tpu.memory_space<vmem>>, vector<256x256xf32>
    %dot_general3A_86 = arith.constant dense<0.000000e+00> : vector<512x256xf32>
    %dot_general3A_87 = tpu.matmul %get3A_1, %get3A_85, %dot_general3A_86 {dimension_numbers = #tpu.dot_dimension_numbers<[1], [0], [0], [1], [0, 0, 1, 1], [], []>, transpose_lhs_hint = false} : vector<512x256xf32>, vector<256x256xf32>, vector<512x256xf32> -> vector<512x256xf32>
    %get3A_88 = arith.constant 0 : index
    %get3A_89 = arith.constant 0 : index
    %get3A_90 = vector.load %arg16[%get3A_88, %get3A_89] : memref<1x256xf32, #tpu.memory_space<vmem>>, vector<1x256xf32>
    %add3A_91 = vector.broadcast %get3A_90 : vector<1x256xf32> to vector<512x256xf32>
    %add3A_92 = arith.addf %dot_general3A_87, %add3A_91 : vector<512x256xf32>
    %max3A_93 = arith.constant 0.000000e+00 : f32
    %max3A_94 = vector.broadcast %max3A_93 : f32 to vector<512x256xf32>
    %max3A_95 = arith.maximumf %add3A_92, %max3A_94 : vector<512x256xf32>
    %dot_general3A_96 = arith.constant dense<0.000000e+00> : vector<512x40xf32>
    %dot_general3A_97 = tpu.matmul %max3A_95, %get3A_10, %dot_general3A_96 {dimension_numbers = #tpu.dot_dimension_numbers<[1], [0], [0], [1], [0, 0, 1, 1], [], []>, transpose_lhs_hint = false} : vector<512x256xf32>, vector<256x40xf32>, vector<512x40xf32> -> vector<512x40xf32>
    %get3A_98 = arith.constant 0 : index
    %get3A_99 = arith.constant 0 : index
    %get3A_100 = vector.load %arg8[%get3A_98, %get3A_99] : memref<256x256xf32, #tpu.memory_space<vmem>>, vector<256x256xf32>
    %dot_general3A_101 = arith.constant dense<0.000000e+00> : vector<512x256xf32>
    %dot_general3A_102 = tpu.matmul %get3A_1, %get3A_100, %dot_general3A_101 {dimension_numbers = #tpu.dot_dimension_numbers<[1], [0], [0], [1], [0, 0, 1, 1], [], []>, transpose_lhs_hint = false} : vector<512x256xf32>, vector<256x256xf32>, vector<512x256xf32> -> vector<512x256xf32>
    %get3A_103 = arith.constant 0 : index
    %get3A_104 = arith.constant 0 : index
    %get3A_105 = vector.load %arg17[%get3A_103, %get3A_104] : memref<1x256xf32, #tpu.memory_space<vmem>>, vector<1x256xf32>
    %add3A_106 = vector.broadcast %get3A_105 : vector<1x256xf32> to vector<512x256xf32>
    %add3A_107 = arith.addf %dot_general3A_102, %add3A_106 : vector<512x256xf32>
    %max3A_108 = arith.constant 0.000000e+00 : f32
    %max3A_109 = vector.broadcast %max3A_108 : f32 to vector<512x256xf32>
    %max3A_110 = arith.maximumf %add3A_107, %max3A_109 : vector<512x256xf32>
    %dot_general3A_111 = arith.constant dense<0.000000e+00> : vector<512x40xf32>
    %dot_general3A_112 = tpu.matmul %max3A_110, %get3A_4, %dot_general3A_111 {dimension_numbers = #tpu.dot_dimension_numbers<[1], [0], [0], [1], [0, 0, 1, 1], [], []>, transpose_lhs_hint = false} : vector<512x256xf32>, vector<256x40xf32>, vector<512x40xf32> -> vector<512x40xf32>
    %get3A_113 = arith.constant 0 : index
    %get3A_114 = arith.constant 0 : index
    %get3A_115 = vector.load %arg9[%get3A_113, %get3A_114] : memref<256x256xf32, #tpu.memory_space<vmem>>, vector<256x256xf32>
    %dot_general3A_116 = arith.constant dense<0.000000e+00> : vector<512x256xf32>
    %dot_general3A_117 = tpu.matmul %get3A_1, %get3A_115, %dot_general3A_116 {dimension_numbers = #tpu.dot_dimension_numbers<[1], [0], [0], [1], [0, 0, 1, 1], [], []>, transpose_lhs_hint = false} : vector<512x256xf32>, vector<256x256xf32>, vector<512x256xf32> -> vector<512x256xf32>
    %get3A_118 = arith.constant 0 : index
    %get3A_119 = arith.constant 0 : index
    %get3A_120 = vector.load %arg18[%get3A_118, %get3A_119] : memref<1x256xf32, #tpu.memory_space<vmem>>, vector<1x256xf32>
    %add3A_121 = vector.broadcast %get3A_120 : vector<1x256xf32> to vector<512x256xf32>
    %add3A_122 = arith.addf %dot_general3A_117, %add3A_121 : vector<512x256xf32>
    %max3A_123 = arith.constant 0.000000e+00 : f32
    %max3A_124 = vector.broadcast %max3A_123 : f32 to vector<512x256xf32>
    %max3A_125 = arith.maximumf %add3A_122, %max3A_124 : vector<512x256xf32>
    %dot_general3A_126 = arith.constant dense<0.000000e+00> : vector<512x40xf32>
    %dot_general3A_127 = tpu.matmul %max3A_125, %get3A_7, %dot_general3A_126 {dimension_numbers = #tpu.dot_dimension_numbers<[1], [0], [0], [1], [0, 0, 1, 1], [], []>, transpose_lhs_hint = false} : vector<512x256xf32>, vector<256x40xf32>, vector<512x40xf32> -> vector<512x40xf32>
    %get3A_128 = arith.constant 0 : index
    %get3A_129 = arith.constant 0 : index
    %get3A_130 = vector.load %arg10[%get3A_128, %get3A_129] : memref<256x256xf32, #tpu.memory_space<vmem>>, vector<256x256xf32>
    %dot_general3A_131 = arith.constant dense<0.000000e+00> : vector<512x256xf32>
    %dot_general3A_132 = tpu.matmul %get3A_1, %get3A_130, %dot_general3A_131 {dimension_numbers = #tpu.dot_dimension_numbers<[1], [0], [0], [1], [0, 0, 1, 1], [], []>, transpose_lhs_hint = false} : vector<512x256xf32>, vector<256x256xf32>, vector<512x256xf32> -> vector<512x256xf32>
    %get3A_133 = arith.constant 0 : index
    %get3A_134 = arith.constant 0 : index
    %get3A_135 = vector.load %arg19[%get3A_133, %get3A_134] : memref<1x256xf32, #tpu.memory_space<vmem>>, vector<1x256xf32>
    %add3A_136 = vector.broadcast %get3A_135 : vector<1x256xf32> to vector<512x256xf32>
    %add3A_137 = arith.addf %dot_general3A_132, %add3A_136 : vector<512x256xf32>
    %max3A_138 = arith.constant 0.000000e+00 : f32
    %max3A_139 = vector.broadcast %max3A_138 : f32 to vector<512x256xf32>
    %max3A_140 = arith.maximumf %add3A_137, %max3A_139 : vector<512x256xf32>
    %dot_general3A_141 = arith.constant dense<0.000000e+00> : vector<512x40xf32>
    %dot_general3A_142 = tpu.matmul %max3A_140, %get3A_10, %dot_general3A_141 {dimension_numbers = #tpu.dot_dimension_numbers<[1], [0], [0], [1], [0, 0, 1, 1], [], []>, transpose_lhs_hint = false} : vector<512x256xf32>, vector<256x40xf32>, vector<512x40xf32> -> vector<512x40xf32>
    %get3A_143 = arith.constant 0 : index
    %get3A_144 = arith.constant 0 : index
    %get3A_145 = memref.load %arg21[%get3A_143, %get3A_144] : memref<3x3xf32, #tpu.memory_space<smem>>
    %mul3A = vector.broadcast %get3A_145 : f32 to vector<512x40xf32>
    %mul3A_146 = arith.mulf %mul3A, %dot_general3A_67 : vector<512x40xf32>
    %get3A_147 = arith.constant 1 : index
    %get3A_148 = arith.constant 0 : index
    %get3A_149 = memref.load %arg21[%get3A_147, %get3A_148] : memref<3x3xf32, #tpu.memory_space<smem>>
    %mul3A_150 = vector.broadcast %get3A_149 : f32 to vector<512x40xf32>
    %mul3A_151 = arith.mulf %mul3A_150, %dot_general3A_82 : vector<512x40xf32>
    %add3A_152 = arith.addf %mul3A_146, %mul3A_151 : vector<512x40xf32>
    %get3A_153 = arith.constant 2 : index
    %get3A_154 = arith.constant 0 : index
    %get3A_155 = memref.load %arg21[%get3A_153, %get3A_154] : memref<3x3xf32, #tpu.memory_space<smem>>
    %mul3A_156 = vector.broadcast %get3A_155 : f32 to vector<512x40xf32>
    %mul3A_157 = arith.mulf %mul3A_156, %dot_general3A_97 : vector<512x40xf32>
    %add3A_158 = arith.addf %add3A_152, %mul3A_157 : vector<512x40xf32>
    %get3A_159 = arith.constant 0 : index
    %get3A_160 = arith.constant 1 : index
    %get3A_161 = memref.load %arg21[%get3A_159, %get3A_160] : memref<3x3xf32, #tpu.memory_space<smem>>
    %mul3A_162 = vector.broadcast %get3A_161 : f32 to vector<512x40xf32>
    %mul3A_163 = arith.mulf %mul3A_162, %dot_general3A_67 : vector<512x40xf32>
    %get3A_164 = arith.constant 1 : index
    %get3A_165 = arith.constant 1 : index
    %get3A_166 = memref.load %arg21[%get3A_164, %get3A_165] : memref<3x3xf32, #tpu.memory_space<smem>>
    %mul3A_167 = vector.broadcast %get3A_166 : f32 to vector<512x40xf32>
    %mul3A_168 = arith.mulf %mul3A_167, %dot_general3A_82 : vector<512x40xf32>
    %add3A_169 = arith.addf %mul3A_163, %mul3A_168 : vector<512x40xf32>
    %get3A_170 = arith.constant 2 : index
    %get3A_171 = arith.constant 1 : index
    %get3A_172 = memref.load %arg21[%get3A_170, %get3A_171] : memref<3x3xf32, #tpu.memory_space<smem>>
    %mul3A_173 = vector.broadcast %get3A_172 : f32 to vector<512x40xf32>
    %mul3A_174 = arith.mulf %mul3A_173, %dot_general3A_97 : vector<512x40xf32>
    %add3A_175 = arith.addf %add3A_169, %mul3A_174 : vector<512x40xf32>
    %get3A_176 = arith.constant 0 : index
    %get3A_177 = arith.constant 2 : index
    %get3A_178 = memref.load %arg21[%get3A_176, %get3A_177] : memref<3x3xf32, #tpu.memory_space<smem>>
    %mul3A_179 = vector.broadcast %get3A_178 : f32 to vector<512x40xf32>
    %mul3A_180 = arith.mulf %mul3A_179, %dot_general3A_67 : vector<512x40xf32>
    %get3A_181 = arith.constant 1 : index
    %get3A_182 = arith.constant 2 : index
    %get3A_183 = memref.load %arg21[%get3A_181, %get3A_182] : memref<3x3xf32, #tpu.memory_space<smem>>
    %mul3A_184 = vector.broadcast %get3A_183 : f32 to vector<512x40xf32>
    %mul3A_185 = arith.mulf %mul3A_184, %dot_general3A_82 : vector<512x40xf32>
    %add3A_186 = arith.addf %mul3A_180, %mul3A_185 : vector<512x40xf32>
    %get3A_187 = arith.constant 2 : index
    %get3A_188 = arith.constant 2 : index
    %get3A_189 = memref.load %arg21[%get3A_187, %get3A_188] : memref<3x3xf32, #tpu.memory_space<smem>>
    %mul3A_190 = vector.broadcast %get3A_189 : f32 to vector<512x40xf32>
    %mul3A_191 = arith.mulf %mul3A_190, %dot_general3A_97 : vector<512x40xf32>
    %add3A_192 = arith.addf %add3A_186, %mul3A_191 : vector<512x40xf32>
    %get3A_193 = arith.constant 0 : index
    %get3A_194 = arith.constant 0 : index
    %get3A_195 = memref.load %arg22[%get3A_193, %get3A_194] : memref<3x4xf32, #tpu.memory_space<smem>>
    %mul3A_196 = vector.broadcast %get3A_195 : f32 to vector<512x40xf32>
    %mul3A_197 = arith.mulf %mul3A_196, %dot_general3A_112 : vector<512x40xf32>
    %get3A_198 = arith.constant 1 : index
    %get3A_199 = arith.constant 0 : index
    %get3A_200 = memref.load %arg22[%get3A_198, %get3A_199] : memref<3x4xf32, #tpu.memory_space<smem>>
    %mul3A_201 = vector.broadcast %get3A_200 : f32 to vector<512x40xf32>
    %mul3A_202 = arith.mulf %mul3A_201, %dot_general3A_127 : vector<512x40xf32>
    %add3A_203 = arith.addf %mul3A_197, %mul3A_202 : vector<512x40xf32>
    %get3A_204 = arith.constant 2 : index
    %get3A_205 = arith.constant 0 : index
    %get3A_206 = memref.load %arg22[%get3A_204, %get3A_205] : memref<3x4xf32, #tpu.memory_space<smem>>
    %mul3A_207 = vector.broadcast %get3A_206 : f32 to vector<512x40xf32>
    %mul3A_208 = arith.mulf %mul3A_207, %dot_general3A_142 : vector<512x40xf32>
    %add3A_209 = arith.addf %add3A_203, %mul3A_208 : vector<512x40xf32>
    %get3A_210 = arith.constant 0 : index
    %get3A_211 = arith.constant 1 : index
    %get3A_212 = memref.load %arg22[%get3A_210, %get3A_211] : memref<3x4xf32, #tpu.memory_space<smem>>
    %mul3A_213 = vector.broadcast %get3A_212 : f32 to vector<512x40xf32>
    %mul3A_214 = arith.mulf %mul3A_213, %dot_general3A_112 : vector<512x40xf32>
    %get3A_215 = arith.constant 1 : index
    %get3A_216 = arith.constant 1 : index
    %get3A_217 = memref.load %arg22[%get3A_215, %get3A_216] : memref<3x4xf32, #tpu.memory_space<smem>>
    %mul3A_218 = vector.broadcast %get3A_217 : f32 to vector<512x40xf32>
    %mul3A_219 = arith.mulf %mul3A_218, %dot_general3A_127 : vector<512x40xf32>
    %add3A_220 = arith.addf %mul3A_214, %mul3A_219 : vector<512x40xf32>
    %get3A_221 = arith.constant 2 : index
    %get3A_222 = arith.constant 1 : index
    %get3A_223 = memref.load %arg22[%get3A_221, %get3A_222] : memref<3x4xf32, #tpu.memory_space<smem>>
    %mul3A_224 = vector.broadcast %get3A_223 : f32 to vector<512x40xf32>
    %mul3A_225 = arith.mulf %mul3A_224, %dot_general3A_142 : vector<512x40xf32>
    %add3A_226 = arith.addf %add3A_220, %mul3A_225 : vector<512x40xf32>
    %get3A_227 = arith.constant 0 : index
    %get3A_228 = arith.constant 2 : index
    %get3A_229 = memref.load %arg22[%get3A_227, %get3A_228] : memref<3x4xf32, #tpu.memory_space<smem>>
    %mul3A_230 = vector.broadcast %get3A_229 : f32 to vector<512x40xf32>
    %mul3A_231 = arith.mulf %mul3A_230, %dot_general3A_112 : vector<512x40xf32>
    %get3A_232 = arith.constant 1 : index
    %get3A_233 = arith.constant 2 : index
    %get3A_234 = memref.load %arg22[%get3A_232, %get3A_233] : memref<3x4xf32, #tpu.memory_space<smem>>
    %mul3A_235 = vector.broadcast %get3A_234 : f32 to vector<512x40xf32>
    %mul3A_236 = arith.mulf %mul3A_235, %dot_general3A_127 : vector<512x40xf32>
    %add3A_237 = arith.addf %mul3A_231, %mul3A_236 : vector<512x40xf32>
    %get3A_238 = arith.constant 2 : index
    %get3A_239 = arith.constant 2 : index
    %get3A_240 = memref.load %arg22[%get3A_238, %get3A_239] : memref<3x4xf32, #tpu.memory_space<smem>>
    %mul3A_241 = vector.broadcast %get3A_240 : f32 to vector<512x40xf32>
    %mul3A_242 = arith.mulf %mul3A_241, %dot_general3A_142 : vector<512x40xf32>
    %add3A_243 = arith.addf %add3A_237, %mul3A_242 : vector<512x40xf32>
    %get3A_244 = arith.constant 0 : index
    %get3A_245 = arith.constant 3 : index
    %get3A_246 = memref.load %arg22[%get3A_244, %get3A_245] : memref<3x4xf32, #tpu.memory_space<smem>>
    %mul3A_247 = vector.broadcast %get3A_246 : f32 to vector<512x40xf32>
    %mul3A_248 = arith.mulf %mul3A_247, %dot_general3A_112 : vector<512x40xf32>
    %get3A_249 = arith.constant 1 : index
    %get3A_250 = arith.constant 3 : index
    %get3A_251 = memref.load %arg22[%get3A_249, %get3A_250] : memref<3x4xf32, #tpu.memory_space<smem>>
    %mul3A_252 = vector.broadcast %get3A_251 : f32 to vector<512x40xf32>
    %mul3A_253 = arith.mulf %mul3A_252, %dot_general3A_127 : vector<512x40xf32>
    %add3A_254 = arith.addf %mul3A_248, %mul3A_253 : vector<512x40xf32>
    %get3A_255 = arith.constant 2 : index
    %get3A_256 = arith.constant 3 : index
    %get3A_257 = memref.load %arg22[%get3A_255, %get3A_256] : memref<3x4xf32, #tpu.memory_space<smem>>
    %mul3A_258 = vector.broadcast %get3A_257 : f32 to vector<512x40xf32>
    %mul3A_259 = arith.mulf %mul3A_258, %dot_general3A_142 : vector<512x40xf32>
    %add3A_260 = arith.addf %add3A_254, %mul3A_259 : vector<512x40xf32>
    %add3A_261 = arith.addf %dot_general3A_22, %dot_general3A_37 : vector<512x40xf32>
    %add3A_262 = arith.addf %add3A_261, %dot_general3A_52 : vector<512x40xf32>
    %get3A_263 = arith.constant 0 : index
    %get3A_264 = arith.constant 0 : index
    %get3A_265 = vector.load %arg23[%get3A_263, %get3A_264] : memref<512x16xf32, #tpu.memory_space<vmem>>, vector<512x1xf32>
    %get3A_266 = arith.constant 0 : index
    %get3A_267 = arith.constant 0 : index
    %get3A_268 = vector.load %arg24[%get3A_266, %get3A_267] : memref<512x16xf32, #tpu.memory_space<vmem>>, vector<512x1xf32>
    %add3A_269 = arith.addf %get3A_265, %get3A_268 : vector<512x1xf32>
    %add3A_270 = arith.constant 1.000000e+00 : f32
    %add3A_271 = vector.broadcast %add3A_270 : f32 to vector<512x1xf32>
    %add3A_272 = arith.addf %add3A_269, %add3A_271 : vector<512x1xf32>
    %rsqrt3A = math.rsqrt %add3A_272 : vector<512x1xf32>
    %broadcast_in_dim3A = arith.constant 0.000000e+00 : f32
    %broadcast_in_dim3A_273 = vector.broadcast %broadcast_in_dim3A : f32 to vector<512x8xf32>
    %broadcast_in_dim3A_274 = vector.shape_cast %rsqrt3A : vector<512x1xf32> to vector<512x1xf32>
    %broadcast_in_dim3A_275 = vector.broadcast %broadcast_in_dim3A_274 : vector<512x1xf32> to vector<512x48xf32>
    %concatenate3A = tpu.concatenate %add3A_192, %broadcast_in_dim3A_273 in 1 : vector<512x40xf32>, vector<512x8xf32> -> vector<512x48xf32>
    %mul3A_276 = arith.mulf %concatenate3A, %broadcast_in_dim3A_275 : vector<512x48xf32>
    %swap3A = arith.constant 0 : index
    %swap3A_277 = arith.constant 0 : index
    %swap3A_278 = vector.load %arg25[%swap3A, %swap3A_277] : memref<512x48xf32, #tpu.memory_space<vmem>>, vector<512x48xf32>
    tpu.vector_store %arg25[%swap3A, %swap3A_277], %mul3A_276 {strides = array<i32>} : memref<512x48xf32, #tpu.memory_space<vmem>>, vector<512x48xf32>,
    %concatenate3A_279 = tpu.concatenate %add3A_260, %broadcast_in_dim3A_273 in 1 : vector<512x40xf32>, vector<512x8xf32> -> vector<512x48xf32>
    %mul3A_280 = arith.mulf %concatenate3A_279, %broadcast_in_dim3A_275 : vector<512x48xf32>
    %swap3A_281 = arith.constant 0 : index
    %swap3A_282 = arith.constant 0 : index
    %swap3A_283 = vector.load %arg26[%swap3A_281, %swap3A_282] : memref<512x48xf32, #tpu.memory_space<vmem>>, vector<512x48xf32>
    tpu.vector_store %arg26[%swap3A_281, %swap3A_282], %mul3A_280 {strides = array<i32>} : memref<512x48xf32, #tpu.memory_space<vmem>>, vector<512x48xf32>,
    %concatenate3A_284 = tpu.concatenate %add3A_175, %broadcast_in_dim3A_273 in 1 : vector<512x40xf32>, vector<512x8xf32> -> vector<512x48xf32>
    %swap3A_285 = arith.constant 0 : index
    %swap3A_286 = arith.constant 0 : index
    %swap3A_287 = vector.load %arg27[%swap3A_285, %swap3A_286] : memref<512x48xf32, #tpu.memory_space<vmem>>, vector<512x48xf32>
    tpu.vector_store %arg27[%swap3A_285, %swap3A_286], %concatenate3A_284 {strides = array<i32>} : memref<512x48xf32, #tpu.memory_space<vmem>>, vector<512x48xf32>,
    %concatenate3A_288 = tpu.concatenate %add3A_243, %broadcast_in_dim3A_273 in 1 : vector<512x40xf32>, vector<512x8xf32> -> vector<512x48xf32>
    %swap3A_289 = arith.constant 0 : index
    %swap3A_290 = arith.constant 0 : index
    %swap3A_291 = vector.load %arg28[%swap3A_289, %swap3A_290] : memref<512x48xf32, #tpu.memory_space<vmem>>, vector<512x48xf32>
    tpu.vector_store %arg28[%swap3A_289, %swap3A_290], %concatenate3A_288 {strides = array<i32>} : memref<512x48xf32, #tpu.memory_space<vmem>>, vector<512x48xf32>,
    %concatenate3A_292 = tpu.concatenate %add3A_158, %broadcast_in_dim3A_273 in 1 : vector<512x40xf32>, vector<512x8xf32> -> vector<512x48xf32>
    %swap3A_293 = arith.constant 0 : index
    %swap3A_294 = arith.constant 0 : index
    %swap3A_295 = vector.load %arg29[%swap3A_293, %swap3A_294] : memref<512x48xf32, #tpu.memory_space<vmem>>, vector<512x48xf32>
    tpu.vector_store %arg29[%swap3A_293, %swap3A_294], %concatenate3A_292 {strides = array<i32>} : memref<512x48xf32, #tpu.memory_space<vmem>>, vector<512x48xf32>,
    %concatenate3A_296 = tpu.concatenate %add3A_226, %broadcast_in_dim3A_273 in 1 : vector<512x40xf32>, vector<512x8xf32> -> vector<512x48xf32>
    %swap3A_297 = arith.constant 0 : index
    %swap3A_298 = arith.constant 0 : index
    %swap3A_299 = vector.load %arg30[%swap3A_297, %swap3A_298] : memref<512x48xf32, #tpu.memory_space<vmem>>, vector<512x48xf32>
    tpu.vector_store %arg30[%swap3A_297, %swap3A_298], %concatenate3A_296 {strides = array<i32>} : memref<512x48xf32, #tpu.memory_space<vmem>>, vector<512x48xf32>,
    %concatenate3A_300 = tpu.concatenate %add3A_209, %broadcast_in_dim3A_273 in 1 : vector<512x40xf32>, vector<512x8xf32> -> vector<512x48xf32>
    %swap3A_301 = arith.constant 0 : index
    %swap3A_302 = arith.constant 0 : index
    %swap3A_303 = vector.load %arg31[%swap3A_301, %swap3A_302] : memref<512x48xf32, #tpu.memory_space<vmem>>, vector<512x48xf32>
    tpu.vector_store %arg31[%swap3A_301, %swap3A_302], %concatenate3A_300 {strides = array<i32>} : memref<512x48xf32, #tpu.memory_space<vmem>>, vector<512x48xf32>,
    %concatenate3A_304 = tpu.concatenate %add3A_262, %broadcast_in_dim3A_273 in 1 : vector<512x40xf32>, vector<512x8xf32> -> vector<512x48xf32>
    %swap3A_305 = arith.constant 0 : index
    %swap3A_306 = arith.constant 0 : index
    %swap3A_307 = vector.load %arg32[%swap3A_305, %swap3A_306] : memref<512x48xf32, #tpu.memory_space<vmem>>, vector<512x48xf32>
    tpu.vector_store %arg32[%swap3A_305, %swap3A_306], %concatenate3A_304 {strides = array<i32>} : memref<512x48xf32, #tpu.memory_space<vmem>>, vector<512x48xf32>,
    %swap3A_308 = arith.constant 0 : index
    %swap3A_309 = arith.constant 0 : index
    %swap3A_310 = vector.load %arg33[%swap3A_308, %swap3A_309] : memref<512x48xf32, #tpu.memory_space<vmem>>, vector<512x48xf32>
    tpu.vector_store %arg33[%swap3A_308, %swap3A_309], %broadcast_in_dim3A_275 {strides = array<i32>} : memref<512x48xf32, #tpu.memory_space<vmem>>, vector<512x48xf32>,
    return
  }
  func.func @transform_0(%arg0: i32) -> (i32, i32) {
    %c0_i32 = arith.constant 0 : i32
    %c0_i32_0 = arith.constant 0 : i32
    return %arg0, %c0_i32 : i32, i32
  }
  func.func @transform_1(%arg0: i32) -> (i32, i32) {
    %c0_i32 = arith.constant 0 : i32
    %c0_i32_0 = arith.constant 0 : i32
    %c0_i32_1 = arith.constant 0 : i32
    return %c0_i32, %c0_i32_0 : i32, i32
  }
  func.func @transform_2(%arg0: i32) -> (i32, i32) {
    %c0_i32 = arith.constant 0 : i32
    %c0_i32_0 = arith.constant 0 : i32
    %c0_i32_1 = arith.constant 0 : i32
    return %c0_i32, %c0_i32_0 : i32, i32
  }
  func.func @transform_3(%arg0: i32) -> (i32, i32) {
    %c0_i32 = arith.constant 0 : i32
    %c0_i32_0 = arith.constant 0 : i32
    %c0_i32_1 = arith.constant 0 : i32
    return %c0_i32, %c0_i32_0 : i32, i32
  }
  func.func @transform_4(%arg0: i32) -> (i32, i32) {
    %c0_i32 = arith.constant 0 : i32
    %c0_i32_0 = arith.constant 0 : i32
    %c0_i32_1 = arith.constant 0 : i32
    return %c0_i32, %c0_i32_0 : i32, i32
  }
  func.func @transform_5(%arg0: i32) -> (i32, i32) {
    %c0_i32 = arith.constant 0 : i32
    %c0_i32_0 = arith.constant 0 : i32
    %c0_i32_1 = arith.constant 0 : i32
    return %c0_i32, %c0_i32_0 : i32, i32
  }
  func.func @transform_6(%arg0: i32) -> (i32, i32) {
    %c0_i32 = arith.constant 0 : i32
    %c0_i32_0 = arith.constant 0 : i32
    %c0_i32_1 = arith.constant 0 : i32
    return %c0_i32, %c0_i32_0 : i32, i32
  }
  func.func @transform_7(%arg0: i32) -> (i32, i32) {
    %c0_i32 = arith.constant 0 : i32
    %c0_i32_0 = arith.constant 0 : i32
    %c0_i32_1 = arith.constant 0 : i32
    return %c0_i32, %c0_i32_0 : i32, i32
  }
  func.func @transform_8(%arg0: i32) -> (i32, i32) {
    %c0_i32 = arith.constant 0 : i32
    %c0_i32_0 = arith.constant 0 : i32
    %c0_i32_1 = arith.constant 0 : i32
    return %c0_i32, %c0_i32_0 : i32, i32
  }
  func.func @transform_9(%arg0: i32) -> (i32, i32) {
    %c0_i32 = arith.constant 0 : i32
    %c0_i32_0 = arith.constant 0 : i32
    %c0_i32_1 = arith.constant 0 : i32
    return %c0_i32, %c0_i32_0 : i32, i32
  }
  func.func @transform_10(%arg0: i32) -> (i32, i32) {
    %c0_i32 = arith.constant 0 : i32
    %c0_i32_0 = arith.constant 0 : i32
    %c0_i32_1 = arith.constant 0 : i32
    return %c0_i32, %c0_i32_0 : i32, i32
  }
  func.func @transform_11(%arg0: i32) -> (i32, i32) {
    %c0_i32 = arith.constant 0 : i32
    %c0_i32_0 = arith.constant 0 : i32
    %c0_i32_1 = arith.constant 0 : i32
    return %c0_i32, %c0_i32_0 : i32, i32
  }
  func.func @transform_12(%arg0: i32) -> (i32, i32) {
    %c0_i32 = arith.constant 0 : i32
    %c0_i32_0 = arith.constant 0 : i32
    %c0_i32_1 = arith.constant 0 : i32
    return %c0_i32, %c0_i32_0 : i32, i32
  }
  func.func @transform_13(%arg0: i32) -> (i32, i32) {
    %c0_i32 = arith.constant 0 : i32
    %c0_i32_0 = arith.constant 0 : i32
    %c0_i32_1 = arith.constant 0 : i32
    return %c0_i32, %c0_i32_0 : i32, i32
  }
  func.func @transform_14(%arg0: i32) -> (i32, i32) {
    %c0_i32 = arith.constant 0 : i32
    %c0_i32_0 = arith.constant 0 : i32
    %c0_i32_1 = arith.constant 0 : i32
    return %c0_i32, %c0_i32_0 : i32, i32
  }
  func.func @transform_15(%arg0: i32) -> (i32, i32) {
    %c0_i32 = arith.constant 0 : i32
    %c0_i32_0 = arith.constant 0 : i32
    %c0_i32_1 = arith.constant 0 : i32
    return %c0_i32, %c0_i32_0 : i32, i32
  }
  func.func @transform_16(%arg0: i32) -> (i32, i32) {
    %c0_i32 = arith.constant 0 : i32
    %c0_i32_0 = arith.constant 0 : i32
    %c0_i32_1 = arith.constant 0 : i32
    return %c0_i32, %c0_i32_0 : i32, i32
  }
  func.func @transform_17(%arg0: i32) -> (i32, i32) {
    %c0_i32 = arith.constant 0 : i32
    %c0_i32_0 = arith.constant 0 : i32
    %c0_i32_1 = arith.constant 0 : i32
    return %c0_i32, %c0_i32_0 : i32, i32
  }
  func.func @transform_18(%arg0: i32) -> (i32, i32) {
    %c0_i32 = arith.constant 0 : i32
    %c0_i32_0 = arith.constant 0 : i32
    %c0_i32_1 = arith.constant 0 : i32
    return %c0_i32, %c0_i32_0 : i32, i32
  }
  func.func @transform_19(%arg0: i32) -> (i32, i32) {
    %c0_i32 = arith.constant 0 : i32
    %c0_i32_0 = arith.constant 0 : i32
    %c0_i32_1 = arith.constant 0 : i32
    return %c0_i32, %c0_i32_0 : i32, i32
  }
  func.func @transform_20(%arg0: i32) -> (i32, i32) {
    %c0_i32 = arith.constant 0 : i32
    %c0_i32_0 = arith.constant 0 : i32
    %c0_i32_1 = arith.constant 0 : i32
    return %c0_i32, %c0_i32_0 : i32, i32
  }
  func.func @transform_21(%arg0: i32) -> (i32, i32) {
    %c0_i32 = arith.constant 0 : i32
    %c0_i32_0 = arith.constant 0 : i32
    %c0_i32_1 = arith.constant 0 : i32
    return %c0_i32, %c0_i32_0 : i32, i32
  }
  func.func @transform_22(%arg0: i32) -> (i32, i32) {
    %c0_i32 = arith.constant 0 : i32
    %c0_i32_0 = arith.constant 0 : i32
    return %arg0, %c0_i32 : i32, i32
  }
  func.func @transform_23(%arg0: i32) -> (i32, i32) {
    %c0_i32 = arith.constant 0 : i32
    %c0_i32_0 = arith.constant 0 : i32
    return %arg0, %c0_i32 : i32, i32
  }
  func.func @transform_24(%arg0: i32) -> (i32, i32) {
    %c0_i32 = arith.constant 0 : i32
    %c0_i32_0 = arith.constant 0 : i32
    return %arg0, %c0_i32 : i32, i32
  }
  func.func @transform_25(%arg0: i32) -> (i32, i32) {
    %c0_i32 = arith.constant 0 : i32
    %c0_i32_0 = arith.constant 0 : i32
    return %arg0, %c0_i32 : i32, i32
  }
  func.func @transform_26(%arg0: i32) -> (i32, i32) {
    %c0_i32 = arith.constant 0 : i32
    %c0_i32_0 = arith.constant 0 : i32
    return %arg0, %c0_i32 : i32, i32
  }
  func.func @transform_27(%arg0: i32) -> (i32, i32) {
    %c0_i32 = arith.constant 0 : i32
    %c0_i32_0 = arith.constant 0 : i32
    return %arg0, %c0_i32 : i32, i32
  }
  func.func @transform_28(%arg0: i32) -> (i32, i32) {
    %c0_i32 = arith.constant 0 : i32
    %c0_i32_0 = arith.constant 0 : i32
    return %arg0, %c0_i32 : i32, i32
  }
  func.func @transform_29(%arg0: i32) -> (i32, i32) {
    %c0_i32 = arith.constant 0 : i32
    %c0_i32_0 = arith.constant 0 : i32
    return %arg0, %c0_i32 : i32, i32
  }
  func.func @transform_30(%arg0: i32) -> (i32, i32) {
    %c0_i32 = arith.constant 0 : i32
    %c0_i32_0 = arith.constant 0 : i32
    return %arg0, %c0_i32 : i32, i32
  }
  func.func @transform_31(%arg0: i32) -> (i32, i32) {
    %c0_i32 = arith.constant 0 : i32
    %c0_i32_0 = arith.constant 0 : i32
    return %arg0, %c0_i32 : i32, i32
  }
  func.func @transform_32(%arg0: i32) -> (i32, i32) {
    %c0_i32 = arith.constant 0 : i32
    %c0_i32_0 = arith.constant 0 : i32
    return %arg0, %c0_i32 : i32, i32
  }
}

module attributes {stable_mosaic.version = 14 : i64} {
  func.func @_comb1_body(%arg0: i32, %arg1: memref<1024x48xf32, #tpu.memory_space<vmem>>, %arg2: memref<1024x48xf32, #tpu.memory_space<vmem>>, %arg3: memref<1024x48xf32, #tpu.memory_space<vmem>>, %arg4: memref<1024x48xf32, #tpu.memory_space<vmem>>, %arg5: memref<1024x48xf32, #tpu.memory_space<vmem>>, %arg6: memref<1024x48xf32, #tpu.memory_space<vmem>>, %arg7: memref<1024x48xf32, #tpu.memory_space<vmem>>, %arg8: memref<1024x48xf32, #tpu.memory_space<vmem>>, %arg9: memref<1024x48xf32, #tpu.memory_space<vmem>>, %arg10: memref<1024x48xf32, #tpu.memory_space<vmem>>, %arg11: memref<1024x48xf32, #tpu.memory_space<vmem>>) attributes {dimension_semantics = [#tpu.dimension_semantics<arbitrary>], iteration_bounds = array<i64: 10>, scalar_prefetch = 0 : i64, scratch_operands = 0 : i64, tpu.core_type = #tpu.core_type<tc>, window_params = [{transform_indices = @transform_0, window_bounds = array<i64: 1024, 48>}, {transform_indices = @transform_1, window_bounds = array<i64: 1024, 48>}, {transform_indices = @transform_2, window_bounds = array<i64: 1024, 48>}, {transform_indices = @transform_3, window_bounds = array<i64: 1024, 48>}, {transform_indices = @transform_4, window_bounds = array<i64: 1024, 48>}, {transform_indices = @transform_5, window_bounds = array<i64: 1024, 48>}, {transform_indices = @transform_6, window_bounds = array<i64: 1024, 48>}, {transform_indices = @transform_7, window_bounds = array<i64: 1024, 48>}, {transform_indices = @transform_8, window_bounds = array<i64: 1024, 48>}, {transform_indices = @transform_9, window_bounds = array<i64: 1024, 48>}, {transform_indices = @transform_10, window_bounds = array<i64: 1024, 48>}]} {
    %get3A = arith.constant 0 : index
    %get3A_0 = arith.constant 0 : index
    %get3A_1 = vector.load %arg9[%get3A, %get3A_0] : memref<1024x48xf32, #tpu.memory_space<vmem>>, vector<1024x48xf32>
    %get3A_2 = arith.constant 0 : index
    %get3A_3 = arith.constant 0 : index
    %get3A_4 = vector.load %arg1[%get3A_2, %get3A_3] : memref<1024x48xf32, #tpu.memory_space<vmem>>, vector<1024x48xf32>
    %get3A_5 = arith.constant 0 : index
    %get3A_6 = arith.constant 0 : index
    %get3A_7 = vector.load %arg3[%get3A_5, %get3A_6] : memref<1024x48xf32, #tpu.memory_space<vmem>>, vector<1024x48xf32>
    %get3A_8 = arith.constant 0 : index
    %get3A_9 = arith.constant 0 : index
    %get3A_10 = vector.load %arg4[%get3A_8, %get3A_9] : memref<1024x48xf32, #tpu.memory_space<vmem>>, vector<1024x48xf32>
    %add3A = arith.addf %get3A_7, %get3A_10 : vector<1024x48xf32>
    %get3A_11 = arith.constant 0 : index
    %get3A_12 = arith.constant 0 : index
    %get3A_13 = vector.load %arg7[%get3A_11, %get3A_12] : memref<1024x48xf32, #tpu.memory_space<vmem>>, vector<1024x48xf32>
    %add3A_14 = arith.addf %add3A, %get3A_13 : vector<1024x48xf32>
    %mul3A = arith.mulf %get3A_1, %add3A_14 : vector<1024x48xf32>
    %add3A_15 = arith.addf %get3A_4, %mul3A : vector<1024x48xf32>
    %get3A_16 = arith.constant 0 : index
    %get3A_17 = arith.constant 0 : index
    %get3A_18 = vector.load %arg2[%get3A_16, %get3A_17] : memref<1024x48xf32, #tpu.memory_space<vmem>>, vector<1024x48xf32>
    %get3A_19 = arith.constant 0 : index
    %get3A_20 = arith.constant 0 : index
    %get3A_21 = vector.load %arg5[%get3A_19, %get3A_20] : memref<1024x48xf32, #tpu.memory_space<vmem>>, vector<1024x48xf32>
    %get3A_22 = arith.constant 0 : index
    %get3A_23 = arith.constant 0 : index
    %get3A_24 = vector.load %arg6[%get3A_22, %get3A_23] : memref<1024x48xf32, #tpu.memory_space<vmem>>, vector<1024x48xf32>
    %add3A_25 = arith.addf %get3A_21, %get3A_24 : vector<1024x48xf32>
    %get3A_26 = arith.constant 0 : index
    %get3A_27 = arith.constant 0 : index
    %get3A_28 = vector.load %arg8[%get3A_26, %get3A_27] : memref<1024x48xf32, #tpu.memory_space<vmem>>, vector<1024x48xf32>
    %add3A_29 = arith.addf %add3A_25, %get3A_28 : vector<1024x48xf32>
    %mul3A_30 = arith.mulf %get3A_1, %add3A_29 : vector<1024x48xf32>
    %add3A_31 = arith.addf %get3A_18, %mul3A_30 : vector<1024x48xf32>
    %mul3A_32 = arith.mulf %add3A_15, %get3A_1 : vector<1024x48xf32>
    %swap3A = arith.constant 0 : index
    %swap3A_33 = arith.constant 0 : index
    %swap3A_34 = vector.load %arg10[%swap3A, %swap3A_33] : memref<1024x48xf32, #tpu.memory_space<vmem>>, vector<1024x48xf32>
    tpu.vector_store %arg10[%swap3A, %swap3A_33], %mul3A_32 {strides = array<i32>} : memref<1024x48xf32, #tpu.memory_space<vmem>>, vector<1024x48xf32>,
    %mul3A_35 = arith.mulf %add3A_31, %get3A_1 : vector<1024x48xf32>
    %swap3A_36 = arith.constant 0 : index
    %swap3A_37 = arith.constant 0 : index
    %swap3A_38 = vector.load %arg11[%swap3A_36, %swap3A_37] : memref<1024x48xf32, #tpu.memory_space<vmem>>, vector<1024x48xf32>
    tpu.vector_store %arg11[%swap3A_36, %swap3A_37], %mul3A_35 {strides = array<i32>} : memref<1024x48xf32, #tpu.memory_space<vmem>>, vector<1024x48xf32>,
    return
  }
  func.func @transform_0(%arg0: i32) -> (i32, i32) {
    %c0_i32 = arith.constant 0 : i32
    %c0_i32_0 = arith.constant 0 : i32
    return %arg0, %c0_i32 : i32, i32
  }
  func.func @transform_1(%arg0: i32) -> (i32, i32) {
    %c0_i32 = arith.constant 0 : i32
    %c0_i32_0 = arith.constant 0 : i32
    return %arg0, %c0_i32 : i32, i32
  }
  func.func @transform_2(%arg0: i32) -> (i32, i32) {
    %c0_i32 = arith.constant 0 : i32
    %c0_i32_0 = arith.constant 0 : i32
    return %arg0, %c0_i32 : i32, i32
  }
  func.func @transform_3(%arg0: i32) -> (i32, i32) {
    %c0_i32 = arith.constant 0 : i32
    %c0_i32_0 = arith.constant 0 : i32
    return %arg0, %c0_i32 : i32, i32
  }
  func.func @transform_4(%arg0: i32) -> (i32, i32) {
    %c0_i32 = arith.constant 0 : i32
    %c0_i32_0 = arith.constant 0 : i32
    return %arg0, %c0_i32 : i32, i32
  }
  func.func @transform_5(%arg0: i32) -> (i32, i32) {
    %c0_i32 = arith.constant 0 : i32
    %c0_i32_0 = arith.constant 0 : i32
    return %arg0, %c0_i32 : i32, i32
  }
  func.func @transform_6(%arg0: i32) -> (i32, i32) {
    %c0_i32 = arith.constant 0 : i32
    %c0_i32_0 = arith.constant 0 : i32
    return %arg0, %c0_i32 : i32, i32
  }
  func.func @transform_7(%arg0: i32) -> (i32, i32) {
    %c0_i32 = arith.constant 0 : i32
    %c0_i32_0 = arith.constant 0 : i32
    return %arg0, %c0_i32 : i32, i32
  }
  func.func @transform_8(%arg0: i32) -> (i32, i32) {
    %c0_i32 = arith.constant 0 : i32
    %c0_i32_0 = arith.constant 0 : i32
    return %arg0, %c0_i32 : i32, i32
  }
  func.func @transform_9(%arg0: i32) -> (i32, i32) {
    %c0_i32 = arith.constant 0 : i32
    %c0_i32_0 = arith.constant 0 : i32
    return %arg0, %c0_i32 : i32, i32
  }
  func.func @transform_10(%arg0: i32) -> (i32, i32) {
    %c0_i32 = arith.constant 0 : i32
    %c0_i32_0 = arith.constant 0 : i32
    return %arg0, %c0_i32 : i32, i32
  }
}

module attributes {stable_mosaic.version = 14 : i64} {
  func.func @_comb2_body(%arg0: i32, %arg1: memref<1024x48xf32, #tpu.memory_space<vmem>>, %arg2: memref<1024x48xf32, #tpu.memory_space<vmem>>, %arg3: memref<1024x48xf32, #tpu.memory_space<vmem>>, %arg4: memref<1024x48xf32, #tpu.memory_space<vmem>>, %arg5: memref<1024x48xf32, #tpu.memory_space<vmem>>, %arg6: memref<1024x48xf32, #tpu.memory_space<vmem>>, %arg7: memref<1024x48xf32, #tpu.memory_space<vmem>>, %arg8: memref<1024x48xf32, #tpu.memory_space<vmem>>, %arg9: memref<1024x48xf32, #tpu.memory_space<vmem>>, %arg10: memref<1024x48xf32, #tpu.memory_space<vmem>>, %arg11: memref<1024x48xf32, #tpu.memory_space<vmem>>) attributes {dimension_semantics = [#tpu.dimension_semantics<arbitrary>], iteration_bounds = array<i64: 10>, scalar_prefetch = 0 : i64, scratch_operands = 0 : i64, tpu.core_type = #tpu.core_type<tc>, window_params = [{transform_indices = @transform_0, window_bounds = array<i64: 1024, 48>}, {transform_indices = @transform_1, window_bounds = array<i64: 1024, 48>}, {transform_indices = @transform_2, window_bounds = array<i64: 1024, 48>}, {transform_indices = @transform_3, window_bounds = array<i64: 1024, 48>}, {transform_indices = @transform_4, window_bounds = array<i64: 1024, 48>}, {transform_indices = @transform_5, window_bounds = array<i64: 1024, 48>}, {transform_indices = @transform_6, window_bounds = array<i64: 1024, 48>}, {transform_indices = @transform_7, window_bounds = array<i64: 1024, 48>}, {transform_indices = @transform_8, window_bounds = array<i64: 1024, 48>}, {transform_indices = @transform_9, window_bounds = array<i64: 1024, 48>}, {transform_indices = @transform_10, window_bounds = array<i64: 1024, 48>}]} {
    %get3A = arith.constant 0 : index
    %get3A_0 = arith.constant 0 : index
    %get3A_1 = vector.load %arg9[%get3A, %get3A_0] : memref<1024x48xf32, #tpu.memory_space<vmem>>, vector<1024x48xf32>
    %get3A_2 = arith.constant 0 : index
    %get3A_3 = arith.constant 0 : index
    %get3A_4 = vector.load %arg1[%get3A_2, %get3A_3] : memref<1024x48xf32, #tpu.memory_space<vmem>>, vector<1024x48xf32>
    %get3A_5 = arith.constant 0 : index
    %get3A_6 = arith.constant 0 : index
    %get3A_7 = vector.load %arg3[%get3A_5, %get3A_6] : memref<1024x48xf32, #tpu.memory_space<vmem>>, vector<1024x48xf32>
    %get3A_8 = arith.constant 0 : index
    %get3A_9 = arith.constant 0 : index
    %get3A_10 = vector.load %arg4[%get3A_8, %get3A_9] : memref<1024x48xf32, #tpu.memory_space<vmem>>, vector<1024x48xf32>
    %add3A = arith.addf %get3A_7, %get3A_10 : vector<1024x48xf32>
    %get3A_11 = arith.constant 0 : index
    %get3A_12 = arith.constant 0 : index
    %get3A_13 = vector.load %arg7[%get3A_11, %get3A_12] : memref<1024x48xf32, #tpu.memory_space<vmem>>, vector<1024x48xf32>
    %add3A_14 = arith.addf %add3A, %get3A_13 : vector<1024x48xf32>
    %mul3A = arith.mulf %get3A_1, %add3A_14 : vector<1024x48xf32>
    %add3A_15 = arith.addf %get3A_4, %mul3A : vector<1024x48xf32>
    %get3A_16 = arith.constant 0 : index
    %get3A_17 = arith.constant 0 : index
    %get3A_18 = vector.load %arg2[%get3A_16, %get3A_17] : memref<1024x48xf32, #tpu.memory_space<vmem>>, vector<1024x48xf32>
    %get3A_19 = arith.constant 0 : index
    %get3A_20 = arith.constant 0 : index
    %get3A_21 = vector.load %arg5[%get3A_19, %get3A_20] : memref<1024x48xf32, #tpu.memory_space<vmem>>, vector<1024x48xf32>
    %get3A_22 = arith.constant 0 : index
    %get3A_23 = arith.constant 0 : index
    %get3A_24 = vector.load %arg6[%get3A_22, %get3A_23] : memref<1024x48xf32, #tpu.memory_space<vmem>>, vector<1024x48xf32>
    %add3A_25 = arith.addf %get3A_21, %get3A_24 : vector<1024x48xf32>
    %get3A_26 = arith.constant 0 : index
    %get3A_27 = arith.constant 0 : index
    %get3A_28 = vector.load %arg8[%get3A_26, %get3A_27] : memref<1024x48xf32, #tpu.memory_space<vmem>>, vector<1024x48xf32>
    %add3A_29 = arith.addf %add3A_25, %get3A_28 : vector<1024x48xf32>
    %mul3A_30 = arith.mulf %get3A_1, %add3A_29 : vector<1024x48xf32>
    %add3A_31 = arith.addf %get3A_18, %mul3A_30 : vector<1024x48xf32>
    %swap3A = arith.constant 0 : index
    %swap3A_32 = arith.constant 0 : index
    %swap3A_33 = vector.load %arg10[%swap3A, %swap3A_32] : memref<1024x48xf32, #tpu.memory_space<vmem>>, vector<1024x48xf32>
    tpu.vector_store %arg10[%swap3A, %swap3A_32], %add3A_15 {strides = array<i32>} : memref<1024x48xf32, #tpu.memory_space<vmem>>, vector<1024x48xf32>,
    %mul3A_34 = arith.mulf %add3A_31, %get3A_1 : vector<1024x48xf32>
    %swap3A_35 = arith.constant 0 : index
    %swap3A_36 = arith.constant 0 : index
    %swap3A_37 = vector.load %arg11[%swap3A_35, %swap3A_36] : memref<1024x48xf32, #tpu.memory_space<vmem>>, vector<1024x48xf32>
    tpu.vector_store %arg11[%swap3A_35, %swap3A_36], %mul3A_34 {strides = array<i32>} : memref<1024x48xf32, #tpu.memory_space<vmem>>, vector<1024x48xf32>,
    return
  }
  func.func @transform_0(%arg0: i32) -> (i32, i32) {
    %c0_i32 = arith.constant 0 : i32
    %c0_i32_0 = arith.constant 0 : i32
    return %arg0, %c0_i32 : i32, i32
  }
  func.func @transform_1(%arg0: i32) -> (i32, i32) {
    %c0_i32 = arith.constant 0 : i32
    %c0_i32_0 = arith.constant 0 : i32
    return %arg0, %c0_i32 : i32, i32
  }
  func.func @transform_2(%arg0: i32) -> (i32, i32) {
    %c0_i32 = arith.constant 0 : i32
    %c0_i32_0 = arith.constant 0 : i32
    return %arg0, %c0_i32 : i32, i32
  }
  func.func @transform_3(%arg0: i32) -> (i32, i32) {
    %c0_i32 = arith.constant 0 : i32
    %c0_i32_0 = arith.constant 0 : i32
    return %arg0, %c0_i32 : i32, i32
  }
  func.func @transform_4(%arg0: i32) -> (i32, i32) {
    %c0_i32 = arith.constant 0 : i32
    %c0_i32_0 = arith.constant 0 : i32
    return %arg0, %c0_i32 : i32, i32
  }
  func.func @transform_5(%arg0: i32) -> (i32, i32) {
    %c0_i32 = arith.constant 0 : i32
    %c0_i32_0 = arith.constant 0 : i32
    return %arg0, %c0_i32 : i32, i32
  }
  func.func @transform_6(%arg0: i32) -> (i32, i32) {
    %c0_i32 = arith.constant 0 : i32
    %c0_i32_0 = arith.constant 0 : i32
    return %arg0, %c0_i32 : i32, i32
  }
  func.func @transform_7(%arg0: i32) -> (i32, i32) {
    %c0_i32 = arith.constant 0 : i32
    %c0_i32_0 = arith.constant 0 : i32
    return %arg0, %c0_i32 : i32, i32
  }
  func.func @transform_8(%arg0: i32) -> (i32, i32) {
    %c0_i32 = arith.constant 0 : i32
    %c0_i32_0 = arith.constant 0 : i32
    return %arg0, %c0_i32 : i32, i32
  }
  func.func @transform_9(%arg0: i32) -> (i32, i32) {
    %c0_i32 = arith.constant 0 : i32
    %c0_i32_0 = arith.constant 0 : i32
    return %arg0, %c0_i32 : i32, i32
  }
  func.func @transform_10(%arg0: i32) -> (i32, i32) {
    %c0_i32 = arith.constant 0 : i32
    %c0_i32_0 = arith.constant 0 : i32
    return %arg0, %c0_i32 : i32, i32
  }
}

module attributes {stable_mosaic.version = 14 : i64} {
  func.func @_final_body(%arg0: i32, %arg1: memref<1000x48xf32, #tpu.memory_space<vmem>>, %arg2: memref<1000x48xf32, #tpu.memory_space<vmem>>, %arg3: memref<1000x48xf32, #tpu.memory_space<vmem>>, %arg4: memref<1000x48xf32, #tpu.memory_space<vmem>>, %arg5: memref<1000x48xf32, #tpu.memory_space<vmem>>, %arg6: memref<1000x48xf32, #tpu.memory_space<vmem>>, %arg7: memref<1000x48xf32, #tpu.memory_space<vmem>>, %arg8: memref<1x40xf32, #tpu.memory_space<vmem>>, %arg9: memref<1000x40xf32, #tpu.memory_space<vmem>>) attributes {dimension_semantics = [#tpu.dimension_semantics<arbitrary>], iteration_bounds = array<i64: 10>, scalar_prefetch = 0 : i64, scratch_operands = 0 : i64, tpu.core_type = #tpu.core_type<tc>, window_params = [{transform_indices = @transform_0, window_bounds = array<i64: 1000, 48>}, {transform_indices = @transform_1, window_bounds = array<i64: 1000, 48>}, {transform_indices = @transform_2, window_bounds = array<i64: 1000, 48>}, {transform_indices = @transform_3, window_bounds = array<i64: 1000, 48>}, {transform_indices = @transform_4, window_bounds = array<i64: 1000, 48>}, {transform_indices = @transform_5, window_bounds = array<i64: 1000, 48>}, {transform_indices = @transform_6, window_bounds = array<i64: 1000, 48>}, {pipeline_mode = #tpu.pipeline_mode<synchronous>, transform_indices = @transform_7, window_bounds = array<i64: 1, 40>}, {transform_indices = @transform_8, window_bounds = array<i64: 1000, 40>}]} {
    %get3A = arith.constant 0 : index
    %get3A_0 = arith.constant 0 : index
    %get3A_1 = vector.load %arg4[%get3A, %get3A_0] : memref<1000x48xf32, #tpu.memory_space<vmem>>, vector<1000x48xf32>
    %get3A_2 = arith.constant 0 : index
    %get3A_3 = arith.constant 0 : index
    %get3A_4 = vector.load %arg5[%get3A_2, %get3A_3] : memref<1000x48xf32, #tpu.memory_space<vmem>>, vector<1000x48xf32>
    %add3A = arith.addf %get3A_1, %get3A_4 : vector<1000x48xf32>
    %get3A_5 = arith.constant 0 : index
    %get3A_6 = arith.constant 0 : index
    %get3A_7 = vector.load %arg6[%get3A_5, %get3A_6] : memref<1000x48xf32, #tpu.memory_space<vmem>>, vector<1000x48xf32>
    %add3A_8 = arith.addf %add3A, %get3A_7 : vector<1000x48xf32>
    %slice3A = vector.extract_strided_slice %add3A_8 {offsets = [0, 0], sizes = [1000, 40], strides = [1, 1]} : vector<1000x48xf32> to vector<1000x40xf32>
    %get3A_9 = arith.constant 0 : index
    %get3A_10 = arith.constant 0 : index
    %get3A_11 = vector.load %arg1[%get3A_9, %get3A_10] : memref<1000x48xf32, #tpu.memory_space<vmem>>, vector<1000x40xf32>
    %get3A_12 = arith.constant 0 : index
    %get3A_13 = arith.constant 0 : index
    %get3A_14 = vector.load %arg2[%get3A_12, %get3A_13] : memref<1000x48xf32, #tpu.memory_space<vmem>>, vector<1000x40xf32>
    %add3A_15 = arith.addf %get3A_11, %get3A_14 : vector<1000x40xf32>
    %get3A_16 = arith.constant 0 : index
    %get3A_17 = arith.constant 0 : index
    %get3A_18 = vector.load %arg3[%get3A_16, %get3A_17] : memref<1000x48xf32, #tpu.memory_space<vmem>>, vector<1000x40xf32>
    %add3A_19 = arith.addf %add3A_15, %get3A_18 : vector<1000x40xf32>
    %get3A_20 = arith.constant 0 : index
    %get3A_21 = arith.constant 0 : index
    %get3A_22 = vector.load %arg7[%get3A_20, %get3A_21] : memref<1000x48xf32, #tpu.memory_space<vmem>>, vector<1000x40xf32>
    %mul3A = arith.mulf %get3A_22, %slice3A : vector<1000x40xf32>
    %add3A_23 = arith.addf %add3A_19, %mul3A : vector<1000x40xf32>
    %get3A_24 = arith.constant 0 : index
    %get3A_25 = arith.constant 0 : index
    %get3A_26 = vector.load %arg8[%get3A_24, %get3A_25] : memref<1x40xf32, #tpu.memory_space<vmem>>, vector<1x40xf32>
    %add3A_27 = vector.broadcast %get3A_26 : vector<1x40xf32> to vector<1000x40xf32>
    %add3A_28 = arith.addf %add3A_23, %add3A_27 : vector<1000x40xf32>
    %reduce_max3A = arith.constant dense<0xFF800000> : vector<1000xf32>
    %reduce_max3A_29 = vector.multi_reduction <maximumf>, %add3A_28, %reduce_max3A [1] : vector<1000x40xf32> to vector<1000xf32>
    %broadcast_in_dim3A = vector.shape_cast %reduce_max3A_29 : vector<1000xf32> to vector<1000x1xf32>
    %sub3A = vector.broadcast %broadcast_in_dim3A : vector<1000x1xf32> to vector<1000x40xf32>
    %sub3A_30 = arith.subf %add3A_28, %sub3A : vector<1000x40xf32>
    %exp3A = math.exp %sub3A_30 : vector<1000x40xf32>
    %reduce_sum3A = arith.constant dense<0.000000e+00> : vector<1000xf32>
    %reduce_sum3A_31 = vector.multi_reduction <add>, %exp3A, %reduce_sum3A [1] : vector<1000x40xf32> to vector<1000xf32>
    %broadcast_in_dim3A_32 = vector.shape_cast %reduce_sum3A_31 : vector<1000xf32> to vector<1000x1xf32>
    %log3A = math.log %broadcast_in_dim3A_32 : vector<1000x1xf32>
    %sub3A_33 = vector.broadcast %broadcast_in_dim3A : vector<1000x1xf32> to vector<1000x40xf32>
    %sub3A_34 = arith.subf %add3A_28, %sub3A_33 : vector<1000x40xf32>
    %sub3A_35 = vector.broadcast %log3A : vector<1000x1xf32> to vector<1000x40xf32>
    %sub3A_36 = arith.subf %sub3A_34, %sub3A_35 : vector<1000x40xf32>
    %swap3A = arith.constant 0 : index
    %swap3A_37 = arith.constant 0 : index
    %swap3A_38 = vector.load %arg9[%swap3A, %swap3A_37] : memref<1000x40xf32, #tpu.memory_space<vmem>>, vector<1000x40xf32>
    tpu.vector_store %arg9[%swap3A, %swap3A_37], %sub3A_36 {strides = array<i32>} : memref<1000x40xf32, #tpu.memory_space<vmem>>, vector<1000x40xf32>,
    return
  }
  func.func @transform_0(%arg0: i32) -> (i32, i32) {
    %c0_i32 = arith.constant 0 : i32
    %c0_i32_0 = arith.constant 0 : i32
    return %arg0, %c0_i32 : i32, i32
  }
  func.func @transform_1(%arg0: i32) -> (i32, i32) {
    %c0_i32 = arith.constant 0 : i32
    %c0_i32_0 = arith.constant 0 : i32
    return %arg0, %c0_i32 : i32, i32
  }
  func.func @transform_2(%arg0: i32) -> (i32, i32) {
    %c0_i32 = arith.constant 0 : i32
    %c0_i32_0 = arith.constant 0 : i32
    return %arg0, %c0_i32 : i32, i32
  }
  func.func @transform_3(%arg0: i32) -> (i32, i32) {
    %c0_i32 = arith.constant 0 : i32
    %c0_i32_0 = arith.constant 0 : i32
    return %arg0, %c0_i32 : i32, i32
  }
  func.func @transform_4(%arg0: i32) -> (i32, i32) {
    %c0_i32 = arith.constant 0 : i32
    %c0_i32_0 = arith.constant 0 : i32
    return %arg0, %c0_i32 : i32, i32
  }
  func.func @transform_5(%arg0: i32) -> (i32, i32) {
    %c0_i32 = arith.constant 0 : i32
    %c0_i32_0 = arith.constant 0 : i32
    return %arg0, %c0_i32 : i32, i32
  }
  func.func @transform_6(%arg0: i32) -> (i32, i32) {
    %c0_i32 = arith.constant 0 : i32
    %c0_i32_0 = arith.constant 0 : i32
    return %arg0, %c0_i32 : i32, i32
  }
  func.func @transform_7(%arg0: i32) -> (i32, i32) {
    %c0_i32 = arith.constant 0 : i32
    %c0_i32_0 = arith.constant 0 : i32
    %c0_i32_1 = arith.constant 0 : i32
    return %c0_i32, %c0_i32_0 : i32, i32
  }
  func.func @transform_8(%arg0: i32) -> (i32, i32) {
    %c0_i32 = arith.constant 0 : i32
    %c0_i32_0 = arith.constant 0 : i32
    return %arg0, %c0_i32 : i32, i32
  }
}

</mosaic_0001>

<sc_bundles>
// kernel: kernel.10.cloned.1.call-start
scs
__scs_entry_jumppad:
0x0: {  	(pc) =	sbr.rel $0x88, $3  }
0x1: {  	(tag) =	ssettag $0x0;
	lr =	simm.s32 $0x1  }
0x2: {  	[smem:$0x3F85] =	sst lr;
	_ =	strace $0xD0000000  }
0x3: {  	_ = 	snop  }
0x4: {  	_ = 	snop  }
0x5: {  	_ = 	snop  }
0x6: {  	_ = 	snop  }
0x7: {  	_ = 	snop  }
__scs_overlays_trampoline_lowered:
0x8: {  	[smem:$0x3F94] =	sst s0  }
0x9: {  	[smem:$0x3F95] =	sst s1  }
0xa: {  	[smem:$0x3F96] =	sst s2  }
0xb: {  	[smem:$0x3F97] =	sst s3  }
0xc: {  	[smem:$0x3F98] =	sst s4  }
0xd: {  	[smem:$0x3F99] =	sst s5  }
0xe: {  	[smem:$0x3F9A] =	sst s6  }
0xf: {  	[smem:$0x3F9B] =	sst s7  }
0x10: {  	[smem:$0x3F9C] =	sst s8  }
0x11: {  	[smem:$0x3F9D] =	sst s9;
	s0 =	simm.s32 @!p0 $0x0  }
0x12: {  	s1 =	sld [smem:$0x3F83];
	s0 =	simm.s32 @p0 $0x1  }
0x13: {  	[smem:$0x3F9E] =	sst s0;
	s0 =	simm.s32 @!p1 $0x0  }
0x14: {  	s2 =	sld [smem:$0x3F82];
	s0 =	simm.s32 @p1 $0x1  }
0x15: {  	[smem:$0x3F9F] =	sst s0;
	s0 =	simm.s32 @!p2 $0x0  }
0x16: {  	s3 =	sld [smem:$0x3FDB];
	s0 =	simm.s32 @p2 $0x1  }
0x17: {  	s4 =	simm.s32 $0x1BF5;
	[smem:$0x3FA1] =	sst s0  }
0x18: {  	s0 =	sld [smem:$0x3F84];
	_ =	swait.ge [sflag:s4], $0x0  }
0x19: {  	s7 =	sld [smem:$0x3F85]  }
0x1a: {  	s8 =	sadd.s32 $0xFFFFE003, lr  }
0x1b: {  	s9 =	sadd.s32 $0xFFFFFEF7, lr;
	s5 =	simm.s32 $0xFFFFFFFF;
	p2 =	slt.u32 s8, $0xFFFFF086  }
0x1c: {  	p1 =	slt.u32 s9, $0xF7A;
	s5 =	simm.s32 @!p2 $0x0  }
0x1d: {  	s5 =	simm.s32 @p1 $0x1;
	p0 =	seq.s32 s7, s2  }
0x1e: {  	s7 =	smul.u32 @!p0 $0xF7A, s2;
	p2 =	seq.s32 @!p0 s5, $0x0  }
0x1f: {  	s9 =	smul.u32 $0xF7A, s1;
	s8 =	simm.s32 @!p0 $0x1BF5;
	p2 =	por !p2, p0  }
0x20: {  	[sflag:s8] =	ssyncset.s32 @!p0 $0xFFFFF086;
	s6 =	sadd.s32 @!p0 s3, s7;
	s7 =	simm.s32 @!p0 $0x108  }
0x21: {  	s3 =	sadd.s32 s3, s9;
	s6 =	sadd.s32 @!p0 $0x88, s6;
	s7 =	simm.s32 @p2 $0x1082  }
0x22: {  	[simem:s7], [sflag:s8] =	dma.local @!p0 [hbm:s6], $0xF7A  }
0x23: {  	s9 =	sor.u32 $0xD0000000, s2;
	s6 =	simm.s32 $0x108;
	_ =	swait.ge @!p0 [sflag:s8], $0x0  }
0x24: {  	s3 =	sadd.s32 $0x88, s3;
	s6 =	simm.s32 @!p1 $0x1082;
	[sflag:s4] =	ssyncset.s32 $0xFFFFF086  }
0x25: {  	[simem:s6], [sflag:s4] =	dma.local [hbm:s3], $0xF7A  }
0x26: {  	[smem:$0x3F85] =	sst s1;
	(tag) =	ssettag s2;
	_ =	strace s9  }
0x27: {  	s1 =	sld [smem:$0x3F95]  }
0x28: {  	s2 =	sld [smem:$0x3F96]  }
0x29: {  	s4 =	sld [smem:$0x3F98]  }
0x2a: {  	p0 =	seq.s32 s5, $0x0;
	s5 =	sld [smem:$0x3F99]  }
0x2b: {  	s6 =	sld [smem:$0x3F9A]  }
0x2c: {  	s7 =	sld [smem:$0x3F9B]  }
0x2d: {  	s3 =	simm.s32 $0x108;
	s8 =	sld [smem:$0x3F9C]  }
0x2e: {  	s3 =	simm.s32 @!p0 $0x1082;
	s9 =	sld [smem:$0x3F9D]  }
0x2f: {  	lr =	sadd.s32 s0, s3;
	s0 =	sld [smem:$0x3F94]  }
0x30: {  	s3 =	sld [smem:$0x3F97]  }
0x31: {  	[smem:$0x3FA0] =	sst s10  }
0x32: {  	s10 =	sld [smem:$0x3F9E];
	_ =	sdelay $0x3  }
0x33: {  	p0 =	seq.s32 s10, $0x1;
	s10 =	sld [smem:$0x3FA0];
	_ =	sdelay $0x3  }
0x34: {  	[smem:$0x3FA0] =	sst s10  }
0x35: {  	s10 =	sld [smem:$0x3F9F];
	_ =	sdelay $0x3  }
0x36: {  	p1 =	seq.s32 s10, $0x1;
	s10 =	sld [smem:$0x3FA0];
	_ =	sdelay $0x3  }
0x37: {  	[smem:$0x3FA0] =	sst s10  }
0x38: {  	s10 =	sld [smem:$0x3FA1]  }
0x39: {  	_ = 	snop;
	(pc) =	sbr.ind lr, $3  }
0x3a: {  	_ = 	snop  }
0x3b: {  	_ = 	snop  }
0x3c: {  	p2 =	seq.s32 s10, $0x1;
	s10 =	sld [smem:$0x3FA0]  }
0x3d: {  	_ =	shalt  }
0x3e: {  	_ =	shalt  }
0x3f: {  	_ =	shalt  }
0x40: {  	_ =	shalt  }
0x41: {  	_ =	shalt  }
0x42: {  	_ =	shalt  }
0x43: {  	_ =	shalt  }
0x44: {  	_ =	shalt  }
0x45: {  	_ =	shalt  }
0x46: {  	_ =	shalt  }
0x47: {  	_ =	shalt  }
0x48: {  	_ =	shalt  }
0x49: {  	_ =	shalt  }
0x4a: {  	_ =	shalt  }
0x4b: {  	_ =	shalt  }
0x4c: {  	_ =	shalt  }
0x4d: {  	_ =	shalt  }
0x4e: {  	_ =	shalt  }
0x4f: {  	_ =	shalt  }
0x50: {  	_ =	shalt  }
0x51: {  	_ =	shalt  }
0x52: {  	_ =	shalt  }
0x53: {  	_ =	shalt  }
0x54: {  	_ =	shalt  }
0x55: {  	_ =	shalt  }
0x56: {  	_ =	shalt  }
0x57: {  	_ =	shalt  }
0x58: {  	_ =	shalt  }
0x59: {  	_ =	shalt  }
0x5a: {  	_ =	shalt  }
0x5b: {  	_ =	shalt  }
0x5c: {  	_ =	shalt  }
0x5d: {  	_ =	shalt  }
0x5e: {  	_ =	shalt  }
0x5f: {  	_ =	shalt  }
0x60: {  	_ =	shalt  }
0x61: {  	_ =	shalt  }
0x62: {  	_ =	shalt  }
0x63: {  	_ =	shalt  }
0x64: {  	_ =	shalt  }
0x65: {  	_ =	shalt  }
0x66: {  	_ =	shalt  }
0x67: {  	_ =	shalt  }
0x68: {  	_ =	shalt  }
0x69: {  	_ =	shalt  }
0x6a: {  	_ =	shalt  }
0x6b: {  	_ =	shalt  }
0x6c: {  	_ =	shalt  }
0x6d: {  	_ =	shalt  }
0x6e: {  	_ =	shalt  }
0x6f: {  	_ =	shalt  }
0x70: {  	_ =	shalt  }
0x71: {  	_ =	shalt  }
0x72: {  	_ =	shalt  }
0x73: {  	_ =	shalt  }
0x74: {  	_ =	shalt  }
0x75: {  	_ =	shalt  }
0x76: {  	_ =	shalt  }
0x77: {  	_ =	shalt  }
0x78: {  	_ =	shalt  }
0x79: {  	_ =	shalt  }
0x7a: {  	_ =	shalt  }
0x7b: {  	_ =	shalt  }
0x7c: {  	_ =	shalt  }
0x7d: {  	_ =	shalt  }
0x7e: {  	_ =	shalt  }
0x7f: {  	_ =	shalt  }
0x80: {  	_ =	shalt  }
0x81: {  	_ =	shalt  }
0x82: {  	_ =	shalt  }
0x83: {  	_ =	shalt  }
0x84: {  	_ =	shalt  }
0x85: {  	_ =	shalt  }
0x86: {  	_ =	shalt  }
0x87: {  	_ =	shalt  }
.Lfunc_end0:
.L_simem_size_0:
called_computation_lowered:
.L_overlay_start_0:
0x88: {  	s2 =	sld [smem:$0x3FD9]  }
0x89: {  	s3 =	sld [smem:$0x3FFE];
	_ =	sdelay $0x1  }
0x8a: {  	s1 =	srdreg.scid  }
0x8b: {  	s0 =	sand.u32 $0x1, s1  }
0x8c: {  	s17 =	sshll.u32 s0, $0xA;
	s2 =	sadd.s32 s3, s2  }
0x8d: {  	s2 =	sadd.s32 s2, s17  }
0x8e: {  	[smem:$0x3FAC] =	sst s2  }
0x8f: {  	_ = 	snop  }
0x90: {  	s2 =	sld [smem:$0x3FD0];
	(tm) =	ssettm $0x1  }
0x91: {  	s18 =	sld [smem:$0x3FFB];
	_ =	sdelay $0x3  }
0x92: {  	_ =	strace s18  }
0x93: {  	s3 =	sld [smem:$0x3FFC];
	_ =	sdelay $0x3  }
0x94: {  	_ =	strace s3  }
0x95: {  	s3 =	sld [smem:$0x3FFD];
	_ =	sdelay $0x3  }
0x96: {  	_ =	strace s3  }
0x97: {  	_ =	strace $0x8FFFFFFF  }
0x98: {  	s19 =	sld [smem:$0x3FDB];
	_ =	sdelay $0x1  }
0x99: {  	s4 =	simm.s32 $_scs_section_size  }
0x9a: {  	s5 =	simm.s32 $_size__tile_overlayer_lowered;
	s6 =	simm.s32 $_tile_overlayer_lowered  }
0x9b: {  	s22 =	simm.s32 $0x1BFF;
	s21 =	sshll.u32 s6, $0x1;
	s3 =	sadd.s32 s4, s19  }
0x9c: {  	s7 =	simm.s32 $0x0;
	s20 =	sshll.u32 s5, $0x1;
	s5 =	sadd.s32 s21, s3  }
0x9d: {  	[timem:s7], [sflag:s22] =	dma.local [hbm:s5], s20  }
0x9e: {  	_ =	swait.ge [sflag:s22], s20  }
0x9f: {  	s4 =	ssub.s32 $0x0, s20;
	[sflag:s22] =	ssyncset.done $0x0  }
0xa0: {  	[sflag:s22] =	ssyncadd.s32 s4;
	_ =	sdelay $0x1  }
0xa1: {  	s23 =	simm.s32 $0x1B8B  }
0xa2: {  	_ =	swait.ge [sflag:s23], $0x1  }
0xa3: {  	[sflag:s23] =	ssyncset.done $0x0  }
0xa4: {  	s25 =	simm.s32 $0x1B8E;
	s24 =	sld [smem:$0x3FFE];
	[sflag:s23] =	ssyncadd.s32 $0xFFFFFFFF  }
0xa5: {  	s26 =	simm.s32 $execute0_lowered;
	[smem:$0x3FD2] =	sst s25  }
0xa6: {  	s5 =	sshll.u32 s26, $0x1;
	_ =	strace $0x80000046;
	[dreg:$0x1] =	wrdreg $0xFFFFFFFF  }
0xa7: {  	s28 =	simm.s32 $_size_execute0_lowered;
	s3 =	sadd.s32 s3, s5;
	[dreg:$0x0] =	wrdreg $0x0  }
0xa8: {  	s5 =	sshll.u32 s28, $0x1;
	[dreg:$0x2] =	wrdreg s3  }
0xa9: {  	[dreg:$0x3] =	wrdreg s5  }
0xaa: {  	[dreg:$0x4] =	wrdreg $0xC0  }
0xab: {  	_ =	task [dreg:s7], $0x5FFFF  }
0xac: {  	[dreg:$0x1] =	wrdreg $0xFFFFFFFF  }
0xad: {  	[dreg:$0x0] =	wrdreg $0x60  }
0xae: {  	[dreg:$0x2] =	wrdreg s24  }
0xaf: {  	[dreg:$0x3] =	wrdreg s2  }
0xb0: {  	[dreg:$0x4] =	wrdreg $0x24000  }
0xb1: {  	[dreg:$0x5] =	wrdreg $0x9  }
0xb2: {  	_ =	task.clear_ibuf [dreg:s7], $0x6FFFF;
	_ =	strace $0x90000046  }
0xb3: {  	s29 =	simm.s32 $0x9;
	_ =	strace $0x80000048  }
0xb4: {  	_ =	swait.ge [sflag:s29], $0x1  }
0xb5: {  	[sflag:s29] =	ssyncadd.s32 $0xFFFFFFFF  }
0xb6: {  	_ =	strace $0x90000048  }
0xb7: {  	_ =	sfence  }
0xb8: {  	s30 =	sld [smem:$0x0];
	_ =	sdelay $0x2  }
0xb9: {  	s31 =	sshll.u32 s1, $0xD;
	s1 =	sshrl.u32 s1, $0x2  }
0xba: {  	s3 =	sand.u32 $0x4000, s31;
	s1 =	sadd.s32 s1, s30  }
0xbb: {  	s0 =	sor.u32 s3, s0;
	s1 =	sshll.u32 s1, $0x11  }
0xbc: {  	s0 =	sor.u32 s1, s0  }
0xbd: {  	s0 =	sadd.s32 $0x8F2B, s0  }
0xbe: {  	[sflag:s0] =	ssyncadd.remote.s32 $0x1  }
0xbf: {  	_ =	sfence.sel $0xFFFF  }
0xc0: {  	[dreg:$0x0] =	wrdreg $0xFFFFFFFF;
	(pc) =	sbr.abs _section_cstart, $3  }
0xc1: {  	[dreg:$0x1] =	wrdreg $0xFFFFFFFF  }
0xc2: {  	_ =	task.clear_ibuf [dreg:s7], $0x2FFFF;
	_ =	strace $0x9FFFFFFF  }
0xc3: {  	(tm) =	ssettm $0x7FFFFFFF  }
tec
execute0_lowered:
.L_overlay_start_1:
0x0: {  	(tag) =	ssettag $0x1  }
0x1: {  	s0 =	srdreg.scid  }
0x2: {  	s31 =	sand.u32 $0x1, s0  }
0x3: {  	s7 =	rddreg [dreg:$0x0];
	s26 =	stileid.u32;
	s1 =	sshll.u32 s31, $0x4  }
0x4: {  	s30 =	rddreg [dreg:$0x1];
	s1 =	sor.u32 s26, s1  }
0x5: {  	s2 =	rddreg [dreg:$0x2];
	s3 =	simm.s32 $0x0;
	s1 =	smul.u32 $0x280, s1  }
0x6: {  	[smem:$0x7FF] =	sst s3  }
0x7: {  	s4 =	sadd.s32 $0xD400, s7;
	_ =	strace $0x80000047;
	s1 =	sadd.s32 s1, s7  }
0x8: {  	[dreg:$0x4] =	wrdreg s4;
	s4 =	simm.s32 $0x1;
	s5 =	sadd.s32 $0x8400, s1  }
0x9: {  	[tilespmem:s3], [sflag:$0x1] =	stream.linear.gather [hbm4b:s5+s3], $0x1400, $0x38;
	[tilespmem:$0x4C00] =	vst v63  }
0xa: {  	_ =	swait.ge [sflag:s4], $0x1400  }
0xb: {  	s6 =	simm.s32 $0x1400;
	[sflag:s4] =	ssyncset.done $0x0  }
0xc: {  	s1 =	smul.u32 $0x2800, s26;
	s8 =	rddreg [dreg:$0x4];
	[sflag:s4] =	ssyncadd.s32 $0xFFFFEC00  }
0xd: {  	[tilespmem:s6], [sflag:$0x1] =	stream.linear.gather [hbm4b:s8+s3], $0x1000, $0x38;
	[tilespmem:$0x4C00] =	vst v63  }
0xe: {  	s0 =	sshll.u32 s26, $0x6;
	_ =	swait.ge [sflag:s4], $0x1000  }
0xf: {  	s7 =	sadd.s32 $0xD600, s7;
	s9 =	sadd.s32 s1, s2;
	[sflag:s4] =	ssyncset.done $0x0  }
0x10: {  	s9 =	sshrl.u32 s9, $0x3;
	s8 =	sor.u32 $0x1C01, s0;
	[sflag:s4] =	ssyncadd.s32 $0xFFFFF000  }
0x11: {  	[spmem:s9], [sflag:s8] =	dma.local [hbm:s7], $0x500  }
0x12: {  	_ =	swait.ge [sflag:s4], $0x500  }
0x13: {  	[sflag:s4] =	ssyncset.done $0x0  }
0x14: {  	[sflag:s4] =	ssyncadd.s32 $0xFFFFFB00  }
0x15: {  	s10 =	simm.s32 $0x100;
	[bflag:$0x0] =	sbarrier.arrive $0xFFFF  }
0x16: {  	[spmem:s2] =	stream.indirect.scatter.add.f32 [tilespmem:s6], [sflag:$0x1], $0x10, s3, s10, $0xb8;
	[tilespmem:$0x4C00] =	vst v63  }
0x17: {  	_ =	swait.ge [sflag:s4], $0x1000  }
0x18: {  	[sflag:s4] =	ssyncset.done $0x0  }
0x19: {  	[sflag:s4] =	ssyncadd.s32 $0xFFFFF000  }
0x1a: {  	[spmem:s2] =	stream.indirect.scatter.add.f32 [tilespmem:s6], [sflag:$0x1], $0x10, s10, s10, $0xb8;
	[tilespmem:$0x4C00] =	vst v63  }
0x1b: {  	_ =	swait.ge [sflag:s4], $0x1000  }
0x1c: {  	[sflag:s4] =	ssyncset.done $0x0  }
0x1d: {  	s11 =	simm.s32 $0x200;
	[sflag:s4] =	ssyncadd.s32 $0xFFFFF000  }
0x1e: {  	[spmem:s2] =	stream.indirect.scatter.add.f32 [tilespmem:s6], [sflag:$0x1], $0x10, s11, s10, $0xb8;
	[tilespmem:$0x4C00] =	vst v63  }
0x1f: {  	_ =	swait.ge [sflag:s4], $0x1000  }
0x20: {  	[sflag:s4] =	ssyncset.done $0x0  }
0x21: {  	s12 =	simm.s32 $0x300;
	[sflag:s4] =	ssyncadd.s32 $0xFFFFF000  }
0x22: {  	[spmem:s2] =	stream.indirect.scatter.add.f32 [tilespmem:s6], [sflag:$0x1], $0x10, s12, s10, $0xb8;
	[tilespmem:$0x4C00] =	vst v63  }
0x23: {  	_ =	swait.ge [sflag:s4], $0x1000  }
0x24: {  	[sflag:s4] =	ssyncset.done $0x0  }
0x25: {  	s13 =	simm.s32 $0x400;
	[sflag:s4] =	ssyncadd.s32 $0xFFFFF000  }
0x26: {  	[spmem:s2] =	stream.indirect.scatter.add.f32 [tilespmem:s6], [sflag:$0x1], $0x10, s13, s10, $0xb8;
	[tilespmem:$0x4C00] =	vst v63  }
0x27: {  	_ =	swait.ge [sflag:s4], $0x1000  }
0x28: {  	[sflag:s4] =	ssyncset.done $0x0  }
0x29: {  	s14 =	simm.s32 $0x500;
	[sflag:s4] =	ssyncadd.s32 $0xFFFFF000  }
0x2a: {  	[spmem:s2] =	stream.indirect.scatter.add.f32 [tilespmem:s6], [sflag:$0x1], $0x10, s14, s10, $0xb8;
	[tilespmem:$0x4C00] =	vst v63  }
0x2b: {  	_ =	swait.ge [sflag:s4], $0x1000  }
0x2c: {  	[sflag:s4] =	ssyncset.done $0x0  }
0x2d: {  	s15 =	simm.s32 $0x600;
	[sflag:s4] =	ssyncadd.s32 $0xFFFFF000  }
0x2e: {  	[spmem:s2] =	stream.indirect.scatter.add.f32 [tilespmem:s6], [sflag:$0x1], $0x10, s15, s10, $0xb8;
	[tilespmem:$0x4C00] =	vst v63  }
0x2f: {  	_ =	swait.ge [sflag:s4], $0x1000  }
0x30: {  	[sflag:s4] =	ssyncset.done $0x0  }
0x31: {  	s16 =	simm.s32 $0x700;
	[sflag:s4] =	ssyncadd.s32 $0xFFFFF000  }
0x32: {  	[spmem:s2] =	stream.indirect.scatter.add.f32 [tilespmem:s6], [sflag:$0x1], $0x10, s16, s10, $0xb8;
	[tilespmem:$0x4C00] =	vst v63  }
0x33: {  	_ =	swait.ge [sflag:s4], $0x1000  }
0x34: {  	[sflag:s4] =	ssyncset.done $0x0  }
0x35: {  	s17 =	simm.s32 $0x800;
	[sflag:s4] =	ssyncadd.s32 $0xFFFFF000  }
0x36: {  	[spmem:s2] =	stream.indirect.scatter.add.f32 [tilespmem:s6], [sflag:$0x1], $0x10, s17, s10, $0xb8;
	[tilespmem:$0x4C00] =	vst v63  }
0x37: {  	_ =	swait.ge [sflag:s4], $0x1000  }
0x38: {  	[sflag:s4] =	ssyncset.done $0x0  }
0x39: {  	s18 =	simm.s32 $0x900;
	[sflag:s4] =	ssyncadd.s32 $0xFFFFF000  }
0x3a: {  	[spmem:s2] =	stream.indirect.scatter.add.f32 [tilespmem:s6], [sflag:$0x1], $0x10, s18, s10, $0xb8;
	[tilespmem:$0x4C00] =	vst v63  }
0x3b: {  	_ =	swait.ge [sflag:s4], $0x1000  }
0x3c: {  	[sflag:s4] =	ssyncset.done $0x0  }
0x3d: {  	s19 =	simm.s32 $0xA00;
	[sflag:s4] =	ssyncadd.s32 $0xFFFFF000  }
0x3e: {  	[spmem:s2] =	stream.indirect.scatter.add.f32 [tilespmem:s6], [sflag:$0x1], $0x10, s19, s10, $0xb8;
	[tilespmem:$0x4C00] =	vst v63  }
0x3f: {  	_ =	swait.ge [sflag:s4], $0x1000  }
0x40: {  	[sflag:s4] =	ssyncset.done $0x0  }
0x41: {  	s20 =	simm.s32 $0xB00;
	[sflag:s4] =	ssyncadd.s32 $0xFFFFF000  }
0x42: {  	[spmem:s2] =	stream.indirect.scatter.add.f32 [tilespmem:s6], [sflag:$0x1], $0x10, s20, s10, $0xb8;
	[tilespmem:$0x4C00] =	vst v63  }
0x43: {  	_ =	swait.ge [sflag:s4], $0x1000  }
0x44: {  	[sflag:s4] =	ssyncset.done $0x0  }
0x45: {  	s21 =	simm.s32 $0xC00;
	[sflag:s4] =	ssyncadd.s32 $0xFFFFF000  }
0x46: {  	[spmem:s2] =	stream.indirect.scatter.add.f32 [tilespmem:s6], [sflag:$0x1], $0x10, s21, s10, $0xb8;
	[tilespmem:$0x4C00] =	vst v63  }
0x47: {  	_ =	swait.ge [sflag:s4], $0x1000  }
0x48: {  	[sflag:s4] =	ssyncset.done $0x0  }
0x49: {  	s22 =	simm.s32 $0xD00;
	[sflag:s4] =	ssyncadd.s32 $0xFFFFF000  }
0x4a: {  	[spmem:s2] =	stream.indirect.scatter.add.f32 [tilespmem:s6], [sflag:$0x1], $0x10, s22, s10, $0xb8;
	[tilespmem:$0x4C00] =	vst v63  }
0x4b: {  	_ =	swait.ge [sflag:s4], $0x1000  }
0x4c: {  	[sflag:s4] =	ssyncset.done $0x0  }
0x4d: {  	s23 =	simm.s32 $0xE00;
	[sflag:s4] =	ssyncadd.s32 $0xFFFFF000  }
0x4e: {  	[spmem:s2] =	stream.indirect.scatter.add.f32 [tilespmem:s6], [sflag:$0x1], $0x10, s23, s10, $0xb8;
	[tilespmem:$0x4C00] =	vst v63  }
0x4f: {  	_ =	swait.ge [sflag:s4], $0x1000  }
0x50: {  	[sflag:s4] =	ssyncset.done $0x0  }
0x51: {  	s24 =	simm.s32 $0xF00;
	[sflag:s4] =	ssyncadd.s32 $0xFFFFF000  }
0x52: {  	[spmem:s2] =	stream.indirect.scatter.add.f32 [tilespmem:s6], [sflag:$0x1], $0x10, s24, s10, $0xb8;
	[tilespmem:$0x4C00] =	vst v63  }
0x53: {  	_ =	swait.ge [sflag:s4], $0x1000  }
0x54: {  	[sflag:s4] =	ssyncset.done $0x0  }
0x55: {  	s25 =	simm.s32 $0x1000;
	[sflag:s4] =	ssyncadd.s32 $0xFFFFF000  }
0x56: {  	[spmem:s2] =	stream.indirect.scatter.add.f32 [tilespmem:s6], [sflag:$0x1], $0x10, s25, s10, $0xb8;
	[tilespmem:$0x4C00] =	vst v63  }
0x57: {  	_ =	swait.ge [sflag:s4], $0x1000  }
0x58: {  	[sflag:s4] =	ssyncset.done $0x0  }
0x59: {  	s26 =	simm.s32 $0x1100;
	[sflag:s4] =	ssyncadd.s32 $0xFFFFF000  }
0x5a: {  	[spmem:s2] =	stream.indirect.scatter.add.f32 [tilespmem:s6], [sflag:$0x1], $0x10, s26, s10, $0xb8;
	[tilespmem:$0x4C00] =	vst v63  }
0x5b: {  	_ =	swait.ge [sflag:s4], $0x1000  }
0x5c: {  	[sflag:s4] =	ssyncset.done $0x0  }
0x5d: {  	s28 =	simm.s32 $0x1200;
	s0 =	smul.u32 $0x28000, s31;
	[sflag:s4] =	ssyncadd.s32 $0xFFFFF000  }
0x5e: {  	[spmem:s2] =	stream.indirect.scatter.add.f32 [tilespmem:s6], [sflag:$0x1], $0x10, s28, s10, $0xb8;
	[tilespmem:$0x4C00] =	vst v63  }
0x5f: {  	s31 =	ssub.s32 $0x2, s31;
	_ =	swait.ge [sflag:s4], $0x1000  }
0x60: {  	s0 =	sadd.s32 s1, s0;
	s1 =	sshrl.u32 s31, $0x1;
	[sflag:s4] =	ssyncset.done $0x0  }
0x61: {  	s29 =	simm.s32 $0x1300;
	s1 =	ssub.s32 s31, s1;
	[sflag:s4] =	ssyncadd.s32 $0xFFFFF000  }
0x62: {  	[spmem:s2] =	stream.indirect.scatter.add.f32 [tilespmem:s6], [sflag:$0x1], $0x10, s29, s10, $0xb8;
	[tilespmem:$0x4C00] =	vst v63  }
0x63: {  	s1 =	smax.u32 s1, $0x1;
	_ =	swait.ge [sflag:s4], $0x1000  }
0x64: {  	p0 =	sne.s32 s1, $0x1;
	[sflag:s4] =	ssyncset.done $0x0  }
.Ltmp0:
0x65: {  	s0 =	sshrl.u32 s0, $0x3;
	[sflag:s4] =	ssyncadd.s32 $0xFFFFF000;
	(pc) =	sbr.rel @!p0 .LBB2_2-.Ltmp0, $4  }
0x66: {  	s30 =	sadd.s32 s30, s0;
	[bflag:$0x0] =	sbarrier.arrive $0xFFFF  }
0x67: {  	[hbm:s30], [sflag:s8] =	dma.local [spmem:s9], $0x500  }
0x68: {  	_ =	swait.ge [sflag:s4], $0x500  }
0x69: {  	s31 =	sadd.s32 $0xFFFFFFFF, s1;
	[sflag:s4] =	ssyncset.done $0x0  }
.LBB2_1:
0x6a: {  	[sflag:s4] =	ssyncadd.s32 $0xFFFFFB00  }
0x6b: {  	[tilespmem:s3], [sflag:$0x1] =	stream.linear.gather [hbm4b:s5+s3], $0x1400, $0x38;
	[tilespmem:$0x4C00] =	vst v63  }
0x6c: {  	_ =	swait.ge [sflag:s4], $0x1400  }
0x6d: {  	[sflag:s4] =	ssyncset.done $0x0  }
0x6e: {  	s0 =	rddreg [dreg:$0x4];
	[sflag:s4] =	ssyncadd.s32 $0xFFFFEC00  }
0x6f: {  	[tilespmem:s6], [sflag:$0x1] =	stream.linear.gather [hbm4b:s0+s3], $0x1000, $0x38;
	[tilespmem:$0x4C00] =	vst v63  }
0x70: {  	_ =	swait.ge [sflag:s4], $0x1000  }
0x71: {  	[sflag:s4] =	ssyncset.done $0x0  }
0x72: {  	[sflag:s4] =	ssyncadd.s32 $0xFFFFF000  }
0x73: {  	[spmem:s9], [sflag:s8] =	dma.local [hbm:s7], $0x500  }
0x74: {  	_ =	swait.ge [sflag:s4], $0x500  }
0x75: {  	[sflag:s4] =	ssyncset.done $0x0  }
0x76: {  	[sflag:s4] =	ssyncadd.s32 $0xFFFFFB00  }
0x77: {  	[bflag:$0x0] =	sbarrier.arrive $0xFFFF  }
0x78: {  	[spmem:s2] =	stream.indirect.scatter.add.f32 [tilespmem:s6], [sflag:$0x1], $0x10, s3, s10, $0xb8;
	[tilespmem:$0x4C00] =	vst v63  }
0x79: {  	_ =	swait.ge [sflag:s4], $0x1000  }
0x7a: {  	[sflag:s4] =	ssyncset.done $0x0  }
0x7b: {  	[sflag:s4] =	ssyncadd.s32 $0xFFFFF000  }
0x7c: {  	[spmem:s2] =	stream.indirect.scatter.add.f32 [tilespmem:s6], [sflag:$0x1], $0x10, s10, s10, $0xb8;
	[tilespmem:$0x4C00] =	vst v63  }
0x7d: {  	_ =	swait.ge [sflag:s4], $0x1000  }
0x7e: {  	[sflag:s4] =	ssyncset.done $0x0  }
0x7f: {  	[sflag:s4] =	ssyncadd.s32 $0xFFFFF000  }
0x80: {  	[spmem:s2] =	stream.indirect.scatter.add.f32 [tilespmem:s6], [sflag:$0x1], $0x10, s11, s10, $0xb8;
	[tilespmem:$0x4C00] =	vst v63  }
0x81: {  	_ =	swait.ge [sflag:s4], $0x1000  }
0x82: {  	[sflag:s4] =	ssyncset.done $0x0  }
0x83: {  	[sflag:s4] =	ssyncadd.s32 $0xFFFFF000  }
0x84: {  	[spmem:s2] =	stream.indirect.scatter.add.f32 [tilespmem:s6], [sflag:$0x1], $0x10, s12, s10, $0xb8;
	[tilespmem:$0x4C00] =	vst v63  }
0x85: {  	_ =	swait.ge [sflag:s4], $0x1000  }
0x86: {  	[sflag:s4] =	ssyncset.done $0x0  }
0x87: {  	[sflag:s4] =	ssyncadd.s32 $0xFFFFF000  }
0x88: {  	[spmem:s2] =	stream.indirect.scatter.add.f32 [tilespmem:s6], [sflag:$0x1], $0x10, s13, s10, $0xb8;
	[tilespmem:$0x4C00] =	vst v63  }
0x89: {  	_ =	swait.ge [sflag:s4], $0x1000  }
0x8a: {  	[sflag:s4] =	ssyncset.done $0x0  }
0x8b: {  	[sflag:s4] =	ssyncadd.s32 $0xFFFFF000  }
0x8c: {  	[spmem:s2] =	stream.indirect.scatter.add.f32 [tilespmem:s6], [sflag:$0x1], $0x10, s14, s10, $0xb8;
	[tilespmem:$0x4C00] =	vst v63  }
0x8d: {  	_ =	swait.ge [sflag:s4], $0x1000  }
0x8e: {  	[sflag:s4] =	ssyncset.done $0x0  }
0x8f: {  	[sflag:s4] =	ssyncadd.s32 $0xFFFFF000  }
0x90: {  	[spmem:s2] =	stream.indirect.scatter.add.f32 [tilespmem:s6], [sflag:$0x1], $0x10, s15, s10, $0xb8;
	[tilespmem:$0x4C00] =	vst v63  }
0x91: {  	_ =	swait.ge [sflag:s4], $0x1000  }
0x92: {  	[sflag:s4] =	ssyncset.done $0x0  }
0x93: {  	[sflag:s4] =	ssyncadd.s32 $0xFFFFF000  }
0x94: {  	[spmem:s2] =	stream.indirect.scatter.add.f32 [tilespmem:s6], [sflag:$0x1], $0x10, s16, s10, $0xb8;
	[tilespmem:$0x4C00] =	vst v63  }
0x95: {  	_ =	swait.ge [sflag:s4], $0x1000  }
0x96: {  	[sflag:s4] =	ssyncset.done $0x0  }
0x97: {  	[sflag:s4] =	ssyncadd.s32 $0xFFFFF000  }
0x98: {  	[spmem:s2] =	stream.indirect.scatter.add.f32 [tilespmem:s6], [sflag:$0x1], $0x10, s17, s10, $0xb8;
	[tilespmem:$0x4C00] =	vst v63  }
0x99: {  	_ =	swait.ge [sflag:s4], $0x1000  }
0x9a: {  	[sflag:s4] =	ssyncset.done $0x0  }
0x9b: {  	[sflag:s4] =	ssyncadd.s32 $0xFFFFF000  }
0x9c: {  	[spmem:s2] =	stream.indirect.scatter.add.f32 [tilespmem:s6], [sflag:$0x1], $0x10, s18, s10, $0xb8;
	[tilespmem:$0x4C00] =	vst v63  }
0x9d: {  	_ =	swait.ge [sflag:s4], $0x1000  }
0x9e: {  	[sflag:s4] =	ssyncset.done $0x0  }
0x9f: {  	[sflag:s4] =	ssyncadd.s32 $0xFFFFF000  }
0xa0: {  	[spmem:s2] =	stream.indirect.scatter.add.f32 [tilespmem:s6], [sflag:$0x1], $0x10, s19, s10, $0xb8;
	[tilespmem:$0x4C00] =	vst v63  }
0xa1: {  	_ =	swait.ge [sflag:s4], $0x1000  }
0xa2: {  	[sflag:s4] =	ssyncset.done $0x0  }
0xa3: {  	[sflag:s4] =	ssyncadd.s32 $0xFFFFF000  }
0xa4: {  	[spmem:s2] =	stream.indirect.scatter.add.f32 [tilespmem:s6], [sflag:$0x1], $0x10, s20, s10, $0xb8;
	[tilespmem:$0x4C00] =	vst v63  }
0xa5: {  	_ =	swait.ge [sflag:s4], $0x1000  }
0xa6: {  	[sflag:s4] =	ssyncset.done $0x0  }
0xa7: {  	[sflag:s4] =	ssyncadd.s32 $0xFFFFF000  }
0xa8: {  	[spmem:s2] =	stream.indirect.scatter.add.f32 [tilespmem:s6], [sflag:$0x1], $0x10, s21, s10, $0xb8;
	[tilespmem:$0x4C00] =	vst v63  }
0xa9: {  	_ =	swait.ge [sflag:s4], $0x1000  }
0xaa: {  	[sflag:s4] =	ssyncset.done $0x0  }
0xab: {  	[sflag:s4] =	ssyncadd.s32 $0xFFFFF000  }
0xac: {  	[spmem:s2] =	stream.indirect.scatter.add.f32 [tilespmem:s6], [sflag:$0x1], $0x10, s22, s10, $0xb8;
	[tilespmem:$0x4C00] =	vst v63  }
0xad: {  	_ =	swait.ge [sflag:s4], $0x1000  }
0xae: {  	[sflag:s4] =	ssyncset.done $0x0  }
0xaf: {  	[sflag:s4] =	ssyncadd.s32 $0xFFFFF000  }
0xb0: {  	[spmem:s2] =	stream.indirect.scatter.add.f32 [tilespmem:s6], [sflag:$0x1], $0x10, s23, s10, $0xb8;
	[tilespmem:$0x4C00] =	vst v63  }
0xb1: {  	_ =	swait.ge [sflag:s4], $0x1000  }
0xb2: {  	[sflag:s4] =	ssyncset.done $0x0  }
0xb3: {  	[sflag:s4] =	ssyncadd.s32 $0xFFFFF000  }
0xb4: {  	[spmem:s2] =	stream.indirect.scatter.add.f32 [tilespmem:s6], [sflag:$0x1], $0x10, s24, s10, $0xb8;
	[tilespmem:$0x4C00] =	vst v63  }
0xb5: {  	_ =	swait.ge [sflag:s4], $0x1000  }
0xb6: {  	[sflag:s4] =	ssyncset.done $0x0  }
0xb7: {  	[sflag:s4] =	ssyncadd.s32 $0xFFFFF000  }
0xb8: {  	[spmem:s2] =	stream.indirect.scatter.add.f32 [tilespmem:s6], [sflag:$0x1], $0x10, s25, s10, $0xb8;
	[tilespmem:$0x4C00] =	vst v63  }
0xb9: {  	_ =	swait.ge [sflag:s4], $0x1000  }
0xba: {  	[sflag:s4] =	ssyncset.done $0x0  }
0xbb: {  	[sflag:s4] =	ssyncadd.s32 $0xFFFFF000  }
0xbc: {  	[spmem:s2] =	stream.indirect.scatter.add.f32 [tilespmem:s6], [sflag:$0x1], $0x10, s26, s10, $0xb8;
	[tilespmem:$0x4C00] =	vst v63  }
0xbd: {  	_ =	swait.ge [sflag:s4], $0x1000  }
0xbe: {  	[sflag:s4] =	ssyncset.done $0x0  }
0xbf: {  	[sflag:s4] =	ssyncadd.s32 $0xFFFFF000  }
0xc0: {  	[spmem:s2] =	stream.indirect.scatter.add.f32 [tilespmem:s6], [sflag:$0x1], $0x10, s28, s10, $0xb8;
	[tilespmem:$0x4C00] =	vst v63  }
0xc1: {  	_ =	swait.ge [sflag:s4], $0x1000  }
0xc2: {  	[sflag:s4] =	ssyncset.done $0x0  }
0xc3: {  	[sflag:s4] =	ssyncadd.s32 $0xFFFFF000  }
0xc4: {  	[spmem:s2] =	stream.indirect.scatter.add.f32 [tilespmem:s6], [sflag:$0x1], $0x10, s29, s10, $0xb8;
	[tilespmem:$0x4C00] =	vst v63  }
0xc5: {  	_ =	swait.ge [sflag:s4], $0x1000  }
0xc6: {  	p0 =	sne.s32 s31, $0x1;
	[sflag:s4] =	ssyncset.done $0x0  }
.Ltmp1:
0xc7: {  	[sflag:s4] =	ssyncadd.s32 $0xFFFFF000;
	(pc) =	sbr.rel @p0 .LBB2_1-.Ltmp1, $4  }
0xc8: {  	[bflag:$0x0] =	sbarrier.arrive $0xFFFF  }
0xc9: {  	[hbm:s30], [sflag:s8] =	dma.local [spmem:s9], $0x500  }
0xca: {  	_ =	swait.ge [sflag:s4], $0x500  }
0xcb: {  	s31 =	sadd.s32 $0xFFFFFFFF, s31;
	[sflag:s4] =	ssyncset.done $0x0  }
.LBB2_2:
0xcc: {  	[sflag:s4] =	ssyncadd.s32 $0xFFFFFB00  }
0xcd: {  	_ =	sfence.sel $0x180000  }
0xce: {  	[bflag:$0x0] =	sbarrier.arrive $0xFFFF  }
0xcf: {  	_ =	strace $0x90000047  }
0xd0: {  	s0 =	stileid.u32;
	[bflag:$0x2] =	sbarrier.arrive $0xFFFF  }
0xd1: {  	p0 =	sne.s32 s0, $0x0;
	s0 =	rddreg [dreg:$0x3]  }
0xd2: {  	s0 =	sadd.s32 @!p0 $0x100000, s0  }
0xd3: {  	[sflag:s0] =	ssyncadd.tile.s32 @!p0 $0x1;
	_ =	shalt  }
.Lfunc_end2:
_tile_overlayer_lowered:
.L_overlay_start_2:
0xd4: {  	(tag) =	ssettag $0x2  }
0xd5: {  	s0 =	rddreg [dreg:$0x0];
	s2 =	stileid.u32  }
0xd6: {  	s1 =	rddreg [dreg:$0x1];
	p0 =	sne.s32 s2, $0x0  }
0xd7: {  	s3 =	rddreg [dreg:$0x2];
	[bflag:$0x3] =	sbarrier.arrive $0xFFFF;
	s2 =	simm.s32 @!p0 $0x1C01  }
0xd8: {  	[timem:s3], [sflag:s2] =	dma.local @!p0 [hbm:s0], s1  }
0xd9: {  	s0 =	simm.s32 @!p0 $0x1  }
0xda: {  	_ =	swait.ge @!p0 [sflag:s0], s1  }
0xdb: {  	s1 =	ssub.s32 @!p0 $0x0, s1;
	[sflag:s0] =	ssyncset.done @!p0 $0x0  }
0xdc: {  	[sflag:s0] =	ssyncadd.s32 @!p0 s1  }
0xdd: {  	[bflag:$0x3] =	sbarrier.arrive $0xFFFF  }
0xde: {  	_ =	shalt  }

// kernel: kernel.13.cloned.1.call-start
scs
__scs_entry_jumppad:
0x0: {  	(pc) =	sbr.rel $0x88, $3  }
0x1: {  	(tag) =	ssettag $0x0;
	lr =	simm.s32 $0x1  }
0x2: {  	[smem:$0x3F85] =	sst lr;
	_ =	strace $0xD0000000  }
0x3: {  	_ = 	snop  }
0x4: {  	_ = 	snop  }
0x5: {  	_ = 	snop  }
0x6: {  	_ = 	snop  }
0x7: {  	_ = 	snop  }
__scs_overlays_trampoline_lowered:
0x8: {  	[smem:$0x3F94] =	sst s0  }
0x9: {  	[smem:$0x3F95] =	sst s1  }
0xa: {  	[smem:$0x3F96] =	sst s2  }
0xb: {  	[smem:$0x3F97] =	sst s3  }
0xc: {  	[smem:$0x3F98] =	sst s4  }
0xd: {  	[smem:$0x3F99] =	sst s5  }
0xe: {  	[smem:$0x3F9A] =	sst s6  }
0xf: {  	[smem:$0x3F9B] =	sst s7  }
0x10: {  	[smem:$0x3F9C] =	sst s8  }
0x11: {  	[smem:$0x3F9D] =	sst s9;
	s0 =	simm.s32 @!p0 $0x0  }
0x12: {  	s1 =	sld [smem:$0x3F83];
	s0 =	simm.s32 @p0 $0x1  }
0x13: {  	[smem:$0x3F9E] =	sst s0;
	s0 =	simm.s32 @!p1 $0x0  }
0x14: {  	s2 =	sld [smem:$0x3F82];
	s0 =	simm.s32 @p1 $0x1  }
0x15: {  	[smem:$0x3F9F] =	sst s0;
	s0 =	simm.s32 @!p2 $0x0  }
0x16: {  	s3 =	sld [smem:$0x3FDB];
	s0 =	simm.s32 @p2 $0x1  }
0x17: {  	s4 =	simm.s32 $0x1BF5;
	[smem:$0x3FA1] =	sst s0  }
0x18: {  	s0 =	sld [smem:$0x3F84];
	_ =	swait.ge [sflag:s4], $0x0  }
0x19: {  	s7 =	sld [smem:$0x3F85]  }
0x1a: {  	s8 =	sadd.s32 $0xFFFFE003, lr  }
0x1b: {  	s9 =	sadd.s32 $0xFFFFFEF7, lr;
	s5 =	simm.s32 $0xFFFFFFFF;
	p2 =	slt.u32 s8, $0xFFFFF086  }
0x1c: {  	p1 =	slt.u32 s9, $0xF7A;
	s5 =	simm.s32 @!p2 $0x0  }
0x1d: {  	s5 =	simm.s32 @p1 $0x1;
	p0 =	seq.s32 s7, s2  }
0x1e: {  	s7 =	smul.u32 @!p0 $0xF7A, s2;
	p2 =	seq.s32 @!p0 s5, $0x0  }
0x1f: {  	s9 =	smul.u32 $0xF7A, s1;
	s8 =	simm.s32 @!p0 $0x1BF5;
	p2 =	por !p2, p0  }
0x20: {  	[sflag:s8] =	ssyncset.s32 @!p0 $0xFFFFF086;
	s6 =	sadd.s32 @!p0 s3, s7;
	s7 =	simm.s32 @!p0 $0x108  }
0x21: {  	s3 =	sadd.s32 s3, s9;
	s6 =	sadd.s32 @!p0 $0x88, s6;
	s7 =	simm.s32 @p2 $0x1082  }
0x22: {  	[simem:s7], [sflag:s8] =	dma.local @!p0 [hbm:s6], $0xF7A  }
0x23: {  	s9 =	sor.u32 $0xD0000000, s2;
	s6 =	simm.s32 $0x108;
	_ =	swait.ge @!p0 [sflag:s8], $0x0  }
0x24: {  	s3 =	sadd.s32 $0x88, s3;
	s6 =	simm.s32 @!p1 $0x1082;
	[sflag:s4] =	ssyncset.s32 $0xFFFFF086  }
0x25: {  	[simem:s6], [sflag:s4] =	dma.local [hbm:s3], $0xF7A  }
0x26: {  	[smem:$0x3F85] =	sst s1;
	(tag) =	ssettag s2;
	_ =	strace s9  }
0x27: {  	s1 =	sld [smem:$0x3F95]  }
0x28: {  	s2 =	sld [smem:$0x3F96]  }
0x29: {  	s4 =	sld [smem:$0x3F98]  }
0x2a: {  	p0 =	seq.s32 s5, $0x0;
	s5 =	sld [smem:$0x3F99]  }
0x2b: {  	s6 =	sld [smem:$0x3F9A]  }
0x2c: {  	s7 =	sld [smem:$0x3F9B]  }
0x2d: {  	s3 =	simm.s32 $0x108;
	s8 =	sld [smem:$0x3F9C]  }
0x2e: {  	s3 =	simm.s32 @!p0 $0x1082;
	s9 =	sld [smem:$0x3F9D]  }
0x2f: {  	lr =	sadd.s32 s0, s3;
	s0 =	sld [smem:$0x3F94]  }
0x30: {  	s3 =	sld [smem:$0x3F97]  }
0x31: {  	[smem:$0x3FA0] =	sst s10  }
0x32: {  	s10 =	sld [smem:$0x3F9E];
	_ =	sdelay $0x3  }
0x33: {  	p0 =	seq.s32 s10, $0x1;
	s10 =	sld [smem:$0x3FA0];
	_ =	sdelay $0x3  }
0x34: {  	[smem:$0x3FA0] =	sst s10  }
0x35: {  	s10 =	sld [smem:$0x3F9F];
	_ =	sdelay $0x3  }
0x36: {  	p1 =	seq.s32 s10, $0x1;
	s10 =	sld [smem:$0x3FA0];
	_ =	sdelay $0x3  }
0x37: {  	[smem:$0x3FA0] =	sst s10  }
0x38: {  	s10 =	sld [smem:$0x3FA1]  }
0x39: {  	_ = 	snop;
	(pc) =	sbr.ind lr, $3  }
0x3a: {  	_ = 	snop  }
0x3b: {  	_ = 	snop  }
0x3c: {  	p2 =	seq.s32 s10, $0x1;
	s10 =	sld [smem:$0x3FA0]  }
0x3d: {  	_ =	shalt  }
0x3e: {  	_ =	shalt  }
0x3f: {  	_ =	shalt  }
0x40: {  	_ =	shalt  }
0x41: {  	_ =	shalt  }
0x42: {  	_ =	shalt  }
0x43: {  	_ =	shalt  }
0x44: {  	_ =	shalt  }
0x45: {  	_ =	shalt  }
0x46: {  	_ =	shalt  }
0x47: {  	_ =	shalt  }
0x48: {  	_ =	shalt  }
0x49: {  	_ =	shalt  }
0x4a: {  	_ =	shalt  }
0x4b: {  	_ =	shalt  }
0x4c: {  	_ =	shalt  }
0x4d: {  	_ =	shalt  }
0x4e: {  	_ =	shalt  }
0x4f: {  	_ =	shalt  }
0x50: {  	_ =	shalt  }
0x51: {  	_ =	shalt  }
0x52: {  	_ =	shalt  }
0x53: {  	_ =	shalt  }
0x54: {  	_ =	shalt  }
0x55: {  	_ =	shalt  }
0x56: {  	_ =	shalt  }
0x57: {  	_ =	shalt  }
0x58: {  	_ =	shalt  }
0x59: {  	_ =	shalt  }
0x5a: {  	_ =	shalt  }
0x5b: {  	_ =	shalt  }
0x5c: {  	_ =	shalt  }
0x5d: {  	_ =	shalt  }
0x5e: {  	_ =	shalt  }
0x5f: {  	_ =	shalt  }
0x60: {  	_ =	shalt  }
0x61: {  	_ =	shalt  }
0x62: {  	_ =	shalt  }
0x63: {  	_ =	shalt  }
0x64: {  	_ =	shalt  }
0x65: {  	_ =	shalt  }
0x66: {  	_ =	shalt  }
0x67: {  	_ =	shalt  }
0x68: {  	_ =	shalt  }
0x69: {  	_ =	shalt  }
0x6a: {  	_ =	shalt  }
0x6b: {  	_ =	shalt  }
0x6c: {  	_ =	shalt  }
0x6d: {  	_ =	shalt  }
0x6e: {  	_ =	shalt  }
0x6f: {  	_ =	shalt  }
0x70: {  	_ =	shalt  }
0x71: {  	_ =	shalt  }
0x72: {  	_ =	shalt  }
0x73: {  	_ =	shalt  }
0x74: {  	_ =	shalt  }
0x75: {  	_ =	shalt  }
0x76: {  	_ =	shalt  }
0x77: {  	_ =	shalt  }
0x78: {  	_ =	shalt  }
0x79: {  	_ =	shalt  }
0x7a: {  	_ =	shalt  }
0x7b: {  	_ =	shalt  }
0x7c: {  	_ =	shalt  }
0x7d: {  	_ =	shalt  }
0x7e: {  	_ =	shalt  }
0x7f: {  	_ =	shalt  }
0x80: {  	_ =	shalt  }
0x81: {  	_ =	shalt  }
0x82: {  	_ =	shalt  }
0x83: {  	_ =	shalt  }
0x84: {  	_ =	shalt  }
0x85: {  	_ =	shalt  }
0x86: {  	_ =	shalt  }
0x87: {  	_ =	shalt  }
.Lfunc_end0:
.L_simem_size_0:
called_computation.1_lowered:
.L_overlay_start_0:
0x88: {  	s2 =	sld [smem:$0x3FD9]  }
0x89: {  	s3 =	sld [smem:$0x3FFE];
	_ =	sdelay $0x1  }
0x8a: {  	s1 =	srdreg.scid  }
0x8b: {  	s0 =	sand.u32 $0x1, s1  }
0x8c: {  	s17 =	sshll.u32 s0, $0xA;
	s2 =	sadd.s32 s3, s2  }
0x8d: {  	s2 =	sadd.s32 s2, s17  }
0x8e: {  	[smem:$0x3FAC] =	sst s2  }
0x8f: {  	_ = 	snop  }
0x90: {  	s2 =	sld [smem:$0x3FD0];
	(tm) =	ssettm $0x1  }
0x91: {  	s18 =	sld [smem:$0x3FFB];
	_ =	sdelay $0x3  }
0x92: {  	_ =	strace s18  }
0x93: {  	s3 =	sld [smem:$0x3FFC];
	_ =	sdelay $0x3  }
0x94: {  	_ =	strace s3  }
0x95: {  	s3 =	sld [smem:$0x3FFD];
	_ =	sdelay $0x3  }
0x96: {  	_ =	strace s3  }
0x97: {  	_ =	strace $0x8FFFFFFF  }
0x98: {  	s19 =	sld [smem:$0x3FDB];
	_ =	sdelay $0x1  }
0x99: {  	s4 =	simm.s32 $_scs_section_size  }
0x9a: {  	s5 =	simm.s32 $_size__tile_overlayer_lowered;
	s6 =	simm.s32 $_tile_overlayer_lowered  }
0x9b: {  	s22 =	simm.s32 $0x1BFF;
	s21 =	sshll.u32 s6, $0x1;
	s3 =	sadd.s32 s4, s19  }
0x9c: {  	s7 =	simm.s32 $0x0;
	s20 =	sshll.u32 s5, $0x1;
	s5 =	sadd.s32 s21, s3  }
0x9d: {  	[timem:s7], [sflag:s22] =	dma.local [hbm:s5], s20  }
0x9e: {  	_ =	swait.ge [sflag:s22], s20  }
0x9f: {  	s4 =	ssub.s32 $0x0, s20;
	[sflag:s22] =	ssyncset.done $0x0  }
0xa0: {  	[sflag:s22] =	ssyncadd.s32 s4;
	_ =	sdelay $0x1  }
0xa1: {  	s23 =	simm.s32 $0x1B8B  }
0xa2: {  	_ =	swait.ge [sflag:s23], $0x1  }
0xa3: {  	[sflag:s23] =	ssyncset.done $0x0  }
0xa4: {  	s25 =	simm.s32 $0x1B8E;
	s24 =	sld [smem:$0x3FFE];
	[sflag:s23] =	ssyncadd.s32 $0xFFFFFFFF  }
0xa5: {  	s26 =	simm.s32 $execute0_lowered;
	[smem:$0x3FD2] =	sst s25  }
0xa6: {  	s5 =	sshll.u32 s26, $0x1;
	_ =	strace $0x80000049;
	[dreg:$0x1] =	wrdreg $0xFFFFFFFF  }
0xa7: {  	s28 =	simm.s32 $_size_execute0_lowered;
	s3 =	sadd.s32 s3, s5;
	[dreg:$0x0] =	wrdreg $0x0  }
0xa8: {  	s5 =	sshll.u32 s28, $0x1;
	[dreg:$0x2] =	wrdreg s3  }
0xa9: {  	[dreg:$0x3] =	wrdreg s5  }
0xaa: {  	[dreg:$0x4] =	wrdreg $0xC0  }
0xab: {  	_ =	task [dreg:s7], $0x5FFFF  }
0xac: {  	[dreg:$0x1] =	wrdreg $0xFFFFFFFF  }
0xad: {  	[dreg:$0x0] =	wrdreg $0x60  }
0xae: {  	[dreg:$0x2] =	wrdreg s24  }
0xaf: {  	[dreg:$0x3] =	wrdreg s2  }
0xb0: {  	[dreg:$0x4] =	wrdreg $0x88000  }
0xb1: {  	[dreg:$0x5] =	wrdreg $0x9  }
0xb2: {  	_ =	task.clear_ibuf [dreg:s7], $0x6FFFF;
	_ =	strace $0x90000049  }
0xb3: {  	s29 =	simm.s32 $0x9;
	_ =	strace $0x8000004B  }
0xb4: {  	_ =	swait.ge [sflag:s29], $0x1  }
0xb5: {  	[sflag:s29] =	ssyncadd.s32 $0xFFFFFFFF  }
0xb6: {  	_ =	strace $0x9000004B  }
0xb7: {  	_ =	sfence  }
0xb8: {  	s30 =	sld [smem:$0x0];
	_ =	sdelay $0x2  }
0xb9: {  	s31 =	sshll.u32 s1, $0xD;
	s1 =	sshrl.u32 s1, $0x2  }
0xba: {  	s3 =	sand.u32 $0x4000, s31;
	s1 =	sadd.s32 s1, s30  }
0xbb: {  	s0 =	sor.u32 s3, s0;
	s1 =	sshll.u32 s1, $0x11  }
0xbc: {  	s0 =	sor.u32 s1, s0  }
0xbd: {  	s0 =	sadd.s32 $0x8F2B, s0  }
0xbe: {  	[sflag:s0] =	ssyncadd.remote.s32 $0x1  }
0xbf: {  	_ =	sfence.sel $0xFFFF  }
0xc0: {  	[dreg:$0x0] =	wrdreg $0xFFFFFFFF;
	(pc) =	sbr.abs _section_cstart, $3  }
0xc1: {  	[dreg:$0x1] =	wrdreg $0xFFFFFFFF  }
0xc2: {  	_ =	task.clear_ibuf [dreg:s7], $0x2FFFF;
	_ =	strace $0x9FFFFFFF  }
0xc3: {  	(tm) =	ssettm $0x7FFFFFFF  }
tec
execute0_lowered:
.L_overlay_start_1:
0x0: {  	(tag) =	ssettag $0x1  }
0x1: {  	s6 =	rddreg [dreg:$0x0]  }
0x2: {  	s2 =	rddreg [dreg:$0x1]  }
0x3: {  	s3 =	rddreg [dreg:$0x2];
	s4 =	srdreg.scid  }
0x4: {  	s1 =	stileid.u32;
	s0 =	rddreg [dreg:$0x3];
	s14 =	simm.s32 $0x100  }
0x5: {  	s15 =	simm.s32 $0x2800;
	s16 =	simm.s32 $0x1;
	s17 =	simm.s32 $0x0  }
0x6: {  	s7 =	sand.u32 $0x1, s4;
	s8 =	smul.u32 $0xF000, s1;
	s4 =	simm.s32 $0x0  }
0x7: {  	s12 =	sshll.u32 s1, $0x6;
	s5 =	sshll.u32 s7, $0x4;
	s9 =	smul.u32 $0xF0000, s7  }
0x8: {  	[smem:$0x7FF] =	sst s4;
	s7 =	ssub.s32 $0x2, s7;
	s12 =	sor.u32 $0x1C02, s12  }
0x9: {  	s5 =	sor.u32 s1, s5;
	_ =	strace $0x8000004A;
	s31 =	sshrl.u32 s7, $0x1  }
0xa: {  	s13 =	sadd.s32 s8, s3;
	s10 =	smul.u32 $0x280, s5;
	s9 =	sadd.s32 s8, s9  }
0xb: {  	s5 =	sadd.s32 $0xD400, s6;
	s11 =	ssub.s32 s7, s31;
	s9 =	sshrl.u32 s9, $0x3  }
0xc: {  	s13 =	sshrl.u32 s13, $0x3;
	s10 =	sadd.s32 s10, s6;
	s9 =	sadd.s32 s9, s6  }
0xd: {  	s6 =	sadd.s32 $0x5DC00, s10;
	s7 =	sadd.s32 $0x8400, s10;
	s8 =	sadd.s32 $0x1A2C00, s9  }
0xe: {  	s9 =	smax.u32 s11, $0x1;
	s10 =	simm.s32 $0x2;
	s11 =	simm.s32 $0x1400  }
.LBB2_1:
0xf: {  	[tilespmem:s4], [sflag:$0x2] =	stream.linear.gather [hbm4b:s6+s4], $0x1400, $0x38;
	[tilespmem:$0x17800] =	vst v63  }
0x10: {  	_ =	swait.ge [sflag:s10], $0x1400  }
0x11: {  	[sflag:s10] =	ssyncset.done $0x0  }
0x12: {  	[sflag:s10] =	ssyncadd.s32 $0xFFFFEC00  }
0x13: {  	[tilespmem:s11], [sflag:$0x2] =	stream.linear.gather [hbm4b:s7+s4], $0x1400, $0x38;
	[tilespmem:$0x17800] =	vst v63  }
0x14: {  	_ =	swait.ge [sflag:s10], $0x1400  }
0x15: {  	[sflag:s10] =	ssyncset.done $0x0  }
0x16: {  	[sflag:s10] =	ssyncadd.s32 $0xFFFFEC00  }
0x17: {  	[spmem:s13], [sflag:s12] =	dma.local [hbm:s2], $0x1E00  }
0x18: {  	_ =	swait.ge [sflag:s10], $0x1E00  }
0x19: {  	[sflag:s10] =	ssyncset.done $0x0  }
0x1a: {  	[sflag:s10] =	ssyncadd.s32 $0xFFFFE200  }
0x1b: {  	s18 =	simm.s32 $0x0;
	[bflag:$0x0] =	sbarrier.arrive $0xFFFF  }
0x1c: {  	[tilespmem:s15], [sflag:$0x1] =	stream.indirect.gather [hbm4b:s5+s14], $0x60, s18, s14, $0xb8;
	[tilespmem:$0x17800] =	vst v63  }
0x1d: {  	_ =	swait.ge [sflag:s16], $0x6000  }
0x1e: {  	[sflag:s16] =	ssyncset.done $0x0  }
0x1f: {  	s31 =	simm.s32 $0x1400;
	[sflag:s16] =	ssyncadd.s32 $0xFFFFA000  }
0x20: {  	[spmem:s3] =	stream.indirect.scatter.add.f32 [tilespmem:s15], [sflag:$0x2], $0x60, s31, s14, $0xb8;
	[tilespmem:$0x17800] =	vst v63  }
0x21: {  	_ =	swait.ge [sflag:s10], $0x6000  }
0x22: {  	s19 =	simm.s32 $0x800;
	s18 =	simm.s32 $0x400;
	[sflag:s10] =	ssyncset.done $0x0  }
.LBB2_2:
0x23: {  	s20 =	sshra.s32 s18, $0x2  }
0x24: {  	[sflag:s10] =	ssyncadd.s32 $0xFFFFA000;
	s18 =	smov.u32 s19;
	s21 =	sadd.s32 $0x400, s19  }
0x25: {  	[tilespmem:s15], [sflag:$0x1] =	stream.indirect.gather [hbm4b:s5+s14], $0x60, s20, s14, $0xb8;
	[tilespmem:$0x17800] =	vst v63  }
0x26: {  	p0 =	sne.s32 s19, $0x4C00;
	_ =	swait.ge [sflag:s16], $0x6000  }
.Ltmp0:
0x27: {  	[sflag:s16] =	ssyncset.done $0x0;
	(pc) =	sbr.rel @p0 .LBB2_2-.Ltmp0, $4  }
0x28: {  	s19 =	sadd.s32 $0x1400, s20;
	[sflag:s16] =	ssyncadd.s32 $0xFFFFA000  }
0x29: {  	[spmem:s3] =	stream.indirect.scatter.add.f32 [tilespmem:s15], [sflag:$0x2], $0x60, s19, s14, $0xb8;
	[tilespmem:$0x17800] =	vst v63  }
0x2a: {  	_ =	swait.ge [sflag:s10], $0x6000  }
0x2b: {  	s19 =	smov.u32 s21;
	[sflag:s10] =	ssyncset.done $0x0  }
0x2c: {  	s18 =	sshra.s32 s18, $0x2;
	[sflag:s10] =	ssyncadd.s32 $0xFFFFA000  }
0x2d: {  	[tilespmem:s15], [sflag:$0x1] =	stream.indirect.gather [hbm4b:s5+s14], $0x60, s18, s14, $0xb8;
	[tilespmem:$0x17800] =	vst v63  }
0x2e: {  	_ =	swait.ge [sflag:s16], $0x6000  }
0x2f: {  	[sflag:s16] =	ssyncset.done $0x0  }
0x30: {  	s18 =	sadd.s32 $0x1400, s18;
	[sflag:s16] =	ssyncadd.s32 $0xFFFFA000  }
0x31: {  	[spmem:s3] =	stream.indirect.scatter.add.f32 [tilespmem:s15], [sflag:$0x2], $0x60, s18, s14, $0xb8;
	[tilespmem:$0x17800] =	vst v63  }
0x32: {  	_ =	swait.ge [sflag:s10], $0x6000  }
0x33: {  	s17 =	sadd.s32 $0x1, s17;
	[sflag:s10] =	ssyncset.done $0x0  }
0x34: {  	p0 =	sne.s32 s17, s9;
	[sflag:s10] =	ssyncadd.s32 $0xFFFFA000  }
.Ltmp1:
0x35: {  	[bflag:$0x0] =	sbarrier.arrive $0xFFFF;
	(pc) =	sbr.rel @p0 .LBB2_1-.Ltmp1, $4  }
0x36: {  	[hbm:s8], [sflag:s12] =	dma.local [spmem:s13], $0x1E00  }
0x37: {  	_ =	swait.ge [sflag:s10], $0x1E00  }
0x38: {  	[sflag:s10] =	ssyncset.done $0x0  }
0x39: {  	[sflag:s10] =	ssyncadd.s32 $0xFFFFE200  }
0x3a: {  	_ =	sfence.sel $0x180000  }
0x3b: {  	[bflag:$0x0] =	sbarrier.arrive $0xFFFF  }
0x3c: {  	p0 =	sne.s32 s1, $0x0;
	_ =	strace $0x9000004A  }
0x3d: {  	s0 =	sadd.s32 @!p0 $0x100000, s0;
	[bflag:$0x2] =	sbarrier.arrive $0xFFFF  }
0x3e: {  	[sflag:s0] =	ssyncadd.tile.s32 @!p0 $0x1;
	_ =	shalt  }
.Lfunc_end2:
_tile_overlayer_lowered:
.L_overlay_start_2:
0x3f: {  	(tag) =	ssettag $0x2  }
0x40: {  	s0 =	rddreg [dreg:$0x0];
	s2 =	stileid.u32  }
0x41: {  	s1 =	rddreg [dreg:$0x1];
	p0 =	sne.s32 s2, $0x0  }
0x42: {  	s3 =	rddreg [dreg:$0x2];
	[bflag:$0x3] =	sbarrier.arrive $0xFFFF;
	s2 =	simm.s32 @!p0 $0x1C02  }
0x43: {  	[timem:s3], [sflag:s2] =	dma.local @!p0 [hbm:s0], s1  }
0x44: {  	s0 =	simm.s32 @!p0 $0x2  }
0x45: {  	_ =	swait.ge @!p0 [sflag:s0], s1  }
0x46: {  	s1 =	ssub.s32 @!p0 $0x0, s1;
	[sflag:s0] =	ssyncset.done @!p0 $0x0  }
0x47: {  	[sflag:s0] =	ssyncadd.s32 @!p0 s1  }
0x48: {  	[bflag:$0x3] =	sbarrier.arrive $0xFFFF  }
0x49: {  	_ =	shalt  }

// kernel: kernel.16.cloned.1.call-start
scs
__scs_entry_jumppad:
0x0: {  	(pc) =	sbr.rel $0x88, $3  }
0x1: {  	(tag) =	ssettag $0x0;
	lr =	simm.s32 $0x1  }
0x2: {  	[smem:$0x3F85] =	sst lr;
	_ =	strace $0xD0000000  }
0x3: {  	_ = 	snop  }
0x4: {  	_ = 	snop  }
0x5: {  	_ = 	snop  }
0x6: {  	_ = 	snop  }
0x7: {  	_ = 	snop  }
__scs_overlays_trampoline_lowered:
0x8: {  	[smem:$0x3F94] =	sst s0  }
0x9: {  	[smem:$0x3F95] =	sst s1  }
0xa: {  	[smem:$0x3F96] =	sst s2  }
0xb: {  	[smem:$0x3F97] =	sst s3  }
0xc: {  	[smem:$0x3F98] =	sst s4  }
0xd: {  	[smem:$0x3F99] =	sst s5  }
0xe: {  	[smem:$0x3F9A] =	sst s6  }
0xf: {  	[smem:$0x3F9B] =	sst s7  }
0x10: {  	[smem:$0x3F9C] =	sst s8  }
0x11: {  	[smem:$0x3F9D] =	sst s9;
	s0 =	simm.s32 @!p0 $0x0  }
0x12: {  	s1 =	sld [smem:$0x3F83];
	s0 =	simm.s32 @p0 $0x1  }
0x13: {  	[smem:$0x3F9E] =	sst s0;
	s0 =	simm.s32 @!p1 $0x0  }
0x14: {  	s2 =	sld [smem:$0x3F82];
	s0 =	simm.s32 @p1 $0x1  }
0x15: {  	[smem:$0x3F9F] =	sst s0;
	s0 =	simm.s32 @!p2 $0x0  }
0x16: {  	s3 =	sld [smem:$0x3FDB];
	s0 =	simm.s32 @p2 $0x1  }
0x17: {  	s4 =	simm.s32 $0x1BF5;
	[smem:$0x3FA1] =	sst s0  }
0x18: {  	s0 =	sld [smem:$0x3F84];
	_ =	swait.ge [sflag:s4], $0x0  }
0x19: {  	s7 =	sld [smem:$0x3F85]  }
0x1a: {  	s8 =	sadd.s32 $0xFFFFE003, lr  }
0x1b: {  	s9 =	sadd.s32 $0xFFFFFEF7, lr;
	s5 =	simm.s32 $0xFFFFFFFF;
	p2 =	slt.u32 s8, $0xFFFFF086  }
0x1c: {  	p1 =	slt.u32 s9, $0xF7A;
	s5 =	simm.s32 @!p2 $0x0  }
0x1d: {  	s5 =	simm.s32 @p1 $0x1;
	p0 =	seq.s32 s7, s2  }
0x1e: {  	s7 =	smul.u32 @!p0 $0xF7A, s2;
	p2 =	seq.s32 @!p0 s5, $0x0  }
0x1f: {  	s9 =	smul.u32 $0xF7A, s1;
	s8 =	simm.s32 @!p0 $0x1BF5;
	p2 =	por !p2, p0  }
0x20: {  	[sflag:s8] =	ssyncset.s32 @!p0 $0xFFFFF086;
	s6 =	sadd.s32 @!p0 s3, s7;
	s7 =	simm.s32 @!p0 $0x108  }
0x21: {  	s3 =	sadd.s32 s3, s9;
	s6 =	sadd.s32 @!p0 $0x88, s6;
	s7 =	simm.s32 @p2 $0x1082  }
0x22: {  	[simem:s7], [sflag:s8] =	dma.local @!p0 [hbm:s6], $0xF7A  }
0x23: {  	s9 =	sor.u32 $0xD0000000, s2;
	s6 =	simm.s32 $0x108;
	_ =	swait.ge @!p0 [sflag:s8], $0x0  }
0x24: {  	s3 =	sadd.s32 $0x88, s3;
	s6 =	simm.s32 @!p1 $0x1082;
	[sflag:s4] =	ssyncset.s32 $0xFFFFF086  }
0x25: {  	[simem:s6], [sflag:s4] =	dma.local [hbm:s3], $0xF7A  }
0x26: {  	[smem:$0x3F85] =	sst s1;
	(tag) =	ssettag s2;
	_ =	strace s9  }
0x27: {  	s1 =	sld [smem:$0x3F95]  }
0x28: {  	s2 =	sld [smem:$0x3F96]  }
0x29: {  	s4 =	sld [smem:$0x3F98]  }
0x2a: {  	p0 =	seq.s32 s5, $0x0;
	s5 =	sld [smem:$0x3F99]  }
0x2b: {  	s6 =	sld [smem:$0x3F9A]  }
0x2c: {  	s7 =	sld [smem:$0x3F9B]  }
0x2d: {  	s3 =	simm.s32 $0x108;
	s8 =	sld [smem:$0x3F9C]  }
0x2e: {  	s3 =	simm.s32 @!p0 $0x1082;
	s9 =	sld [smem:$0x3F9D]  }
0x2f: {  	lr =	sadd.s32 s0, s3;
	s0 =	sld [smem:$0x3F94]  }
0x30: {  	s3 =	sld [smem:$0x3F97]  }
0x31: {  	[smem:$0x3FA0] =	sst s10  }
0x32: {  	s10 =	sld [smem:$0x3F9E];
	_ =	sdelay $0x3  }
0x33: {  	p0 =	seq.s32 s10, $0x1;
	s10 =	sld [smem:$0x3FA0];
	_ =	sdelay $0x3  }
0x34: {  	[smem:$0x3FA0] =	sst s10  }
0x35: {  	s10 =	sld [smem:$0x3F9F];
	_ =	sdelay $0x3  }
0x36: {  	p1 =	seq.s32 s10, $0x1;
	s10 =	sld [smem:$0x3FA0];
	_ =	sdelay $0x3  }
0x37: {  	[smem:$0x3FA0] =	sst s10  }
0x38: {  	s10 =	sld [smem:$0x3FA1]  }
0x39: {  	_ = 	snop;
	(pc) =	sbr.ind lr, $3  }
0x3a: {  	_ = 	snop  }
0x3b: {  	_ = 	snop  }
0x3c: {  	p2 =	seq.s32 s10, $0x1;
	s10 =	sld [smem:$0x3FA0]  }
0x3d: {  	_ =	shalt  }
0x3e: {  	_ =	shalt  }
0x3f: {  	_ =	shalt  }
0x40: {  	_ =	shalt  }
0x41: {  	_ =	shalt  }
0x42: {  	_ =	shalt  }
0x43: {  	_ =	shalt  }
0x44: {  	_ =	shalt  }
0x45: {  	_ =	shalt  }
0x46: {  	_ =	shalt  }
0x47: {  	_ =	shalt  }
0x48: {  	_ =	shalt  }
0x49: {  	_ =	shalt  }
0x4a: {  	_ =	shalt  }
0x4b: {  	_ =	shalt  }
0x4c: {  	_ =	shalt  }
0x4d: {  	_ =	shalt  }
0x4e: {  	_ =	shalt  }
0x4f: {  	_ =	shalt  }
0x50: {  	_ =	shalt  }
0x51: {  	_ =	shalt  }
0x52: {  	_ =	shalt  }
0x53: {  	_ =	shalt  }
0x54: {  	_ =	shalt  }
0x55: {  	_ =	shalt  }
0x56: {  	_ =	shalt  }
0x57: {  	_ =	shalt  }
0x58: {  	_ =	shalt  }
0x59: {  	_ =	shalt  }
0x5a: {  	_ =	shalt  }
0x5b: {  	_ =	shalt  }
0x5c: {  	_ =	shalt  }
0x5d: {  	_ =	shalt  }
0x5e: {  	_ =	shalt  }
0x5f: {  	_ =	shalt  }
0x60: {  	_ =	shalt  }
0x61: {  	_ =	shalt  }
0x62: {  	_ =	shalt  }
0x63: {  	_ =	shalt  }
0x64: {  	_ =	shalt  }
0x65: {  	_ =	shalt  }
0x66: {  	_ =	shalt  }
0x67: {  	_ =	shalt  }
0x68: {  	_ =	shalt  }
0x69: {  	_ =	shalt  }
0x6a: {  	_ =	shalt  }
0x6b: {  	_ =	shalt  }
0x6c: {  	_ =	shalt  }
0x6d: {  	_ =	shalt  }
0x6e: {  	_ =	shalt  }
0x6f: {  	_ =	shalt  }
0x70: {  	_ =	shalt  }
0x71: {  	_ =	shalt  }
0x72: {  	_ =	shalt  }
0x73: {  	_ =	shalt  }
0x74: {  	_ =	shalt  }
0x75: {  	_ =	shalt  }
0x76: {  	_ =	shalt  }
0x77: {  	_ =	shalt  }
0x78: {  	_ =	shalt  }
0x79: {  	_ =	shalt  }
0x7a: {  	_ =	shalt  }
0x7b: {  	_ =	shalt  }
0x7c: {  	_ =	shalt  }
0x7d: {  	_ =	shalt  }
0x7e: {  	_ =	shalt  }
0x7f: {  	_ =	shalt  }
0x80: {  	_ =	shalt  }
0x81: {  	_ =	shalt  }
0x82: {  	_ =	shalt  }
0x83: {  	_ =	shalt  }
0x84: {  	_ =	shalt  }
0x85: {  	_ =	shalt  }
0x86: {  	_ =	shalt  }
0x87: {  	_ =	shalt  }
.Lfunc_end0:
.L_simem_size_0:
called_computation.2_lowered:
.L_overlay_start_0:
0x88: {  	s2 =	sld [smem:$0x3FD9]  }
0x89: {  	s3 =	sld [smem:$0x3FFE];
	_ =	sdelay $0x1  }
0x8a: {  	s1 =	srdreg.scid  }
0x8b: {  	s0 =	sand.u32 $0x1, s1  }
0x8c: {  	s17 =	sshll.u32 s0, $0xA;
	s2 =	sadd.s32 s3, s2  }
0x8d: {  	s2 =	sadd.s32 s2, s17  }
0x8e: {  	[smem:$0x3FAC] =	sst s2  }
0x8f: {  	_ = 	snop  }
0x90: {  	s2 =	sld [smem:$0x3FD0];
	(tm) =	ssettm $0x1  }
0x91: {  	s18 =	sld [smem:$0x3FFB];
	_ =	sdelay $0x3  }
0x92: {  	_ =	strace s18  }
0x93: {  	s3 =	sld [smem:$0x3FFC];
	_ =	sdelay $0x3  }
0x94: {  	_ =	strace s3  }
0x95: {  	s3 =	sld [smem:$0x3FFD];
	_ =	sdelay $0x3  }
0x96: {  	_ =	strace s3  }
0x97: {  	_ =	strace $0x8FFFFFFF  }
0x98: {  	s19 =	sld [smem:$0x3FDB];
	_ =	sdelay $0x1  }
0x99: {  	s4 =	simm.s32 $_scs_section_size  }
0x9a: {  	s5 =	simm.s32 $_size__tile_overlayer_lowered;
	s6 =	simm.s32 $_tile_overlayer_lowered  }
0x9b: {  	s22 =	simm.s32 $0x1BFF;
	s21 =	sshll.u32 s6, $0x1;
	s3 =	sadd.s32 s4, s19  }
0x9c: {  	s7 =	simm.s32 $0x0;
	s20 =	sshll.u32 s5, $0x1;
	s5 =	sadd.s32 s21, s3  }
0x9d: {  	[timem:s7], [sflag:s22] =	dma.local [hbm:s5], s20  }
0x9e: {  	_ =	swait.ge [sflag:s22], s20  }
0x9f: {  	s4 =	ssub.s32 $0x0, s20;
	[sflag:s22] =	ssyncset.done $0x0  }
0xa0: {  	[sflag:s22] =	ssyncadd.s32 s4;
	_ =	sdelay $0x1  }
0xa1: {  	s23 =	simm.s32 $0x1B8B  }
0xa2: {  	_ =	swait.ge [sflag:s23], $0x1  }
0xa3: {  	[sflag:s23] =	ssyncset.done $0x0  }
0xa4: {  	s25 =	simm.s32 $0x1B8E;
	s24 =	sld [smem:$0x3FFE];
	[sflag:s23] =	ssyncadd.s32 $0xFFFFFFFF  }
0xa5: {  	s26 =	simm.s32 $execute0_lowered;
	[smem:$0x3FD2] =	sst s25  }
0xa6: {  	s5 =	sshll.u32 s26, $0x1;
	_ =	strace $0x8000004C;
	[dreg:$0x1] =	wrdreg $0xFFFFFFFF  }
0xa7: {  	s28 =	simm.s32 $_size_execute0_lowered;
	s3 =	sadd.s32 s3, s5;
	[dreg:$0x0] =	wrdreg $0x0  }
0xa8: {  	s5 =	sshll.u32 s28, $0x1;
	[dreg:$0x2] =	wrdreg s3  }
0xa9: {  	[dreg:$0x3] =	wrdreg s5  }
0xaa: {  	[dreg:$0x4] =	wrdreg $0xC0  }
0xab: {  	_ =	task [dreg:s7], $0x5FFFF  }
0xac: {  	[dreg:$0x1] =	wrdreg $0xFFFFFFFF  }
0xad: {  	[dreg:$0x0] =	wrdreg $0x60  }
0xae: {  	[dreg:$0x2] =	wrdreg s24  }
0xaf: {  	[dreg:$0x3] =	wrdreg s2  }
0xb0: {  	[dreg:$0x4] =	wrdreg $0x88000  }
0xb1: {  	[dreg:$0x5] =	wrdreg $0x9  }
0xb2: {  	_ =	task.clear_ibuf [dreg:s7], $0x6FFFF;
	_ =	strace $0x9000004C  }
0xb3: {  	s29 =	simm.s32 $0x9;
	_ =	strace $0x8000004E  }
0xb4: {  	_ =	swait.ge [sflag:s29], $0x1  }
0xb5: {  	[sflag:s29] =	ssyncadd.s32 $0xFFFFFFFF  }
0xb6: {  	_ =	strace $0x9000004E  }
0xb7: {  	_ =	sfence  }
0xb8: {  	s30 =	sld [smem:$0x0];
	_ =	sdelay $0x2  }
0xb9: {  	s31 =	sshll.u32 s1, $0xD;
	s1 =	sshrl.u32 s1, $0x2  }
0xba: {  	s3 =	sand.u32 $0x4000, s31;
	s1 =	sadd.s32 s1, s30  }
0xbb: {  	s0 =	sor.u32 s3, s0;
	s1 =	sshll.u32 s1, $0x11  }
0xbc: {  	s0 =	sor.u32 s1, s0  }
0xbd: {  	s0 =	sadd.s32 $0x8F2B, s0  }
0xbe: {  	[sflag:s0] =	ssyncadd.remote.s32 $0x1  }
0xbf: {  	_ =	sfence.sel $0xFFFF  }
0xc0: {  	[dreg:$0x0] =	wrdreg $0xFFFFFFFF;
	(pc) =	sbr.abs _section_cstart, $3  }
0xc1: {  	[dreg:$0x1] =	wrdreg $0xFFFFFFFF  }
0xc2: {  	_ =	task.clear_ibuf [dreg:s7], $0x2FFFF;
	_ =	strace $0x9FFFFFFF  }
0xc3: {  	(tm) =	ssettm $0x7FFFFFFF  }
tec
execute0_lowered:
.L_overlay_start_1:
0x0: {  	(tag) =	ssettag $0x1  }
0x1: {  	s6 =	rddreg [dreg:$0x0]  }
0x2: {  	s2 =	rddreg [dreg:$0x1]  }
0x3: {  	s3 =	rddreg [dreg:$0x2];
	s4 =	srdreg.scid  }
0x4: {  	s1 =	stileid.u32;
	s0 =	rddreg [dreg:$0x3];
	s14 =	simm.s32 $0x100  }
0x5: {  	s15 =	simm.s32 $0x2800;
	s16 =	simm.s32 $0x1;
	s17 =	simm.s32 $0x0  }
0x6: {  	s7 =	sand.u32 $0x1, s4;
	s8 =	smul.u32 $0xF000, s1;
	s4 =	simm.s32 $0x0  }
0x7: {  	s12 =	sshll.u32 s1, $0x6;
	s5 =	sshll.u32 s7, $0x4;
	s9 =	smul.u32 $0xF0000, s7  }
0x8: {  	[smem:$0x7FF] =	sst s4;
	s7 =	ssub.s32 $0x2, s7;
	s12 =	sor.u32 $0x1C02, s12  }
0x9: {  	s5 =	sor.u32 s1, s5;
	_ =	strace $0x8000004D;
	s31 =	sshrl.u32 s7, $0x1  }
0xa: {  	s13 =	sadd.s32 s8, s3;
	s10 =	smul.u32 $0x280, s5;
	s9 =	sadd.s32 s8, s9  }
0xb: {  	s5 =	sadd.s32 $0x62C00, s6;
	s11 =	ssub.s32 s7, s31;
	s9 =	sshrl.u32 s9, $0x3  }
0xc: {  	s13 =	sshrl.u32 s13, $0x3;
	s10 =	sadd.s32 s10, s6;
	s9 =	sadd.s32 s9, s6  }
0xd: {  	s6 =	sadd.s32 $0x5DC00, s10;
	s7 =	sadd.s32 $0x8400, s10;
	s8 =	sadd.s32 $0x80C00, s9  }
0xe: {  	s9 =	smax.u32 s11, $0x1;
	s10 =	simm.s32 $0x2;
	s11 =	simm.s32 $0x1400  }
.LBB2_1:
0xf: {  	[tilespmem:s4], [sflag:$0x2] =	stream.linear.gather [hbm4b:s6+s4], $0x1400, $0x38;
	[tilespmem:$0x17800] =	vst v63  }
0x10: {  	_ =	swait.ge [sflag:s10], $0x1400  }
0x11: {  	[sflag:s10] =	ssyncset.done $0x0  }
0x12: {  	[sflag:s10] =	ssyncadd.s32 $0xFFFFEC00  }
0x13: {  	[tilespmem:s11], [sflag:$0x2] =	stream.linear.gather [hbm4b:s7+s4], $0x1400, $0x38;
	[tilespmem:$0x17800] =	vst v63  }
0x14: {  	_ =	swait.ge [sflag:s10], $0x1400  }
0x15: {  	[sflag:s10] =	ssyncset.done $0x0  }
0x16: {  	[sflag:s10] =	ssyncadd.s32 $0xFFFFEC00  }
0x17: {  	[spmem:s13], [sflag:s12] =	dma.local [hbm:s2], $0x1E00  }
0x18: {  	_ =	swait.ge [sflag:s10], $0x1E00  }
0x19: {  	[sflag:s10] =	ssyncset.done $0x0  }
0x1a: {  	[sflag:s10] =	ssyncadd.s32 $0xFFFFE200  }
0x1b: {  	s18 =	simm.s32 $0x0;
	[bflag:$0x0] =	sbarrier.arrive $0xFFFF  }
0x1c: {  	[tilespmem:s15], [sflag:$0x1] =	stream.indirect.gather [hbm4b:s5+s14], $0x60, s18, s14, $0xb8;
	[tilespmem:$0x17800] =	vst v63  }
0x1d: {  	_ =	swait.ge [sflag:s16], $0x6000  }
0x1e: {  	[sflag:s16] =	ssyncset.done $0x0  }
0x1f: {  	s31 =	simm.s32 $0x1400;
	[sflag:s16] =	ssyncadd.s32 $0xFFFFA000  }
0x20: {  	[spmem:s3] =	stream.indirect.scatter.add.f32 [tilespmem:s15], [sflag:$0x2], $0x60, s31, s14, $0xb8;
	[tilespmem:$0x17800] =	vst v63  }
0x21: {  	_ =	swait.ge [sflag:s10], $0x6000  }
0x22: {  	s19 =	simm.s32 $0x800;
	s18 =	simm.s32 $0x400;
	[sflag:s10] =	ssyncset.done $0x0  }
.LBB2_2:
0x23: {  	s20 =	sshra.s32 s18, $0x2  }
0x24: {  	[sflag:s10] =	ssyncadd.s32 $0xFFFFA000;
	s18 =	smov.u32 s19;
	s21 =	sadd.s32 $0x400, s19  }
0x25: {  	[tilespmem:s15], [sflag:$0x1] =	stream.indirect.gather [hbm4b:s5+s14], $0x60, s20, s14, $0xb8;
	[tilespmem:$0x17800] =	vst v63  }
0x26: {  	p0 =	sne.s32 s19, $0x4C00;
	_ =	swait.ge [sflag:s16], $0x6000  }
.Ltmp0:
0x27: {  	[sflag:s16] =	ssyncset.done $0x0;
	(pc) =	sbr.rel @p0 .LBB2_2-.Ltmp0, $4  }
0x28: {  	s19 =	sadd.s32 $0x1400, s20;
	[sflag:s16] =	ssyncadd.s32 $0xFFFFA000  }
0x29: {  	[spmem:s3] =	stream.indirect.scatter.add.f32 [tilespmem:s15], [sflag:$0x2], $0x60, s19, s14, $0xb8;
	[tilespmem:$0x17800] =	vst v63  }
0x2a: {  	_ =	swait.ge [sflag:s10], $0x6000  }
0x2b: {  	s19 =	smov.u32 s21;
	[sflag:s10] =	ssyncset.done $0x0  }
0x2c: {  	s18 =	sshra.s32 s18, $0x2;
	[sflag:s10] =	ssyncadd.s32 $0xFFFFA000  }
0x2d: {  	[tilespmem:s15], [sflag:$0x1] =	stream.indirect.gather [hbm4b:s5+s14], $0x60, s18, s14, $0xb8;
	[tilespmem:$0x17800] =	vst v63  }
0x2e: {  	_ =	swait.ge [sflag:s16], $0x6000  }
0x2f: {  	[sflag:s16] =	ssyncset.done $0x0  }
0x30: {  	s18 =	sadd.s32 $0x1400, s18;
	[sflag:s16] =	ssyncadd.s32 $0xFFFFA000  }
0x31: {  	[spmem:s3] =	stream.indirect.scatter.add.f32 [tilespmem:s15], [sflag:$0x2], $0x60, s18, s14, $0xb8;
	[tilespmem:$0x17800] =	vst v63  }
0x32: {  	_ =	swait.ge [sflag:s10], $0x6000  }
0x33: {  	s17 =	sadd.s32 $0x1, s17;
	[sflag:s10] =	ssyncset.done $0x0  }
0x34: {  	p0 =	sne.s32 s17, s9;
	[sflag:s10] =	ssyncadd.s32 $0xFFFFA000  }
.Ltmp1:
0x35: {  	[bflag:$0x0] =	sbarrier.arrive $0xFFFF;
	(pc) =	sbr.rel @p0 .LBB2_1-.Ltmp1, $4  }
0x36: {  	[hbm:s8], [sflag:s12] =	dma.local [spmem:s13], $0x1E00  }
0x37: {  	_ =	swait.ge [sflag:s10], $0x1E00  }
0x38: {  	[sflag:s10] =	ssyncset.done $0x0  }
0x39: {  	[sflag:s10] =	ssyncadd.s32 $0xFFFFE200  }
0x3a: {  	_ =	sfence.sel $0x180000  }
0x3b: {  	[bflag:$0x0] =	sbarrier.arrive $0xFFFF  }
0x3c: {  	p0 =	sne.s32 s1, $0x0;
	_ =	strace $0x9000004D  }
0x3d: {  	s0 =	sadd.s32 @!p0 $0x100000, s0;
	[bflag:$0x2] =	sbarrier.arrive $0xFFFF  }
0x3e: {  	[sflag:s0] =	ssyncadd.tile.s32 @!p0 $0x1;
	_ =	shalt  }
.Lfunc_end2:
_tile_overlayer_lowered:
.L_overlay_start_2:
0x3f: {  	(tag) =	ssettag $0x2  }
0x40: {  	s0 =	rddreg [dreg:$0x0];
	s2 =	stileid.u32  }
0x41: {  	s1 =	rddreg [dreg:$0x1];
	p0 =	sne.s32 s2, $0x0  }
0x42: {  	s3 =	rddreg [dreg:$0x2];
	[bflag:$0x3] =	sbarrier.arrive $0xFFFF;
	s2 =	simm.s32 @!p0 $0x1C02  }
0x43: {  	[timem:s3], [sflag:s2] =	dma.local @!p0 [hbm:s0], s1  }
0x44: {  	s0 =	simm.s32 @!p0 $0x2  }
0x45: {  	_ =	swait.ge @!p0 [sflag:s0], s1  }
0x46: {  	s1 =	ssub.s32 @!p0 $0x0, s1;
	[sflag:s0] =	ssyncset.done @!p0 $0x0  }
0x47: {  	[sflag:s0] =	ssyncadd.s32 @!p0 s1  }
0x48: {  	[bflag:$0x3] =	sbarrier.arrive $0xFFFF  }
0x49: {  	_ =	shalt  }

// kernel: kernel.19.cloned.1.call-start
scs
__scs_entry_jumppad:
0x0: {  	(pc) =	sbr.rel $0x88, $3  }
0x1: {  	(tag) =	ssettag $0x0;
	lr =	simm.s32 $0x1  }
0x2: {  	[smem:$0x3F85] =	sst lr;
	_ =	strace $0xD0000000  }
0x3: {  	_ = 	snop  }
0x4: {  	_ = 	snop  }
0x5: {  	_ = 	snop  }
0x6: {  	_ = 	snop  }
0x7: {  	_ = 	snop  }
__scs_overlays_trampoline_lowered:
0x8: {  	[smem:$0x3F94] =	sst s0  }
0x9: {  	[smem:$0x3F95] =	sst s1  }
0xa: {  	[smem:$0x3F96] =	sst s2  }
0xb: {  	[smem:$0x3F97] =	sst s3  }
0xc: {  	[smem:$0x3F98] =	sst s4  }
0xd: {  	[smem:$0x3F99] =	sst s5  }
0xe: {  	[smem:$0x3F9A] =	sst s6  }
0xf: {  	[smem:$0x3F9B] =	sst s7  }
0x10: {  	[smem:$0x3F9C] =	sst s8  }
0x11: {  	[smem:$0x3F9D] =	sst s9;
	s0 =	simm.s32 @!p0 $0x0  }
0x12: {  	s1 =	sld [smem:$0x3F83];
	s0 =	simm.s32 @p0 $0x1  }
0x13: {  	[smem:$0x3F9E] =	sst s0;
	s0 =	simm.s32 @!p1 $0x0  }
0x14: {  	s2 =	sld [smem:$0x3F82];
	s0 =	simm.s32 @p1 $0x1  }
0x15: {  	[smem:$0x3F9F] =	sst s0;
	s0 =	simm.s32 @!p2 $0x0  }
0x16: {  	s3 =	sld [smem:$0x3FDB];
	s0 =	simm.s32 @p2 $0x1  }
0x17: {  	s4 =	simm.s32 $0x1BF5;
	[smem:$0x3FA1] =	sst s0  }
0x18: {  	s0 =	sld [smem:$0x3F84];
	_ =	swait.ge [sflag:s4], $0x0  }
0x19: {  	s7 =	sld [smem:$0x3F85]  }
0x1a: {  	s8 =	sadd.s32 $0xFFFFE003, lr  }
0x1b: {  	s9 =	sadd.s32 $0xFFFFFEF7, lr;
	s5 =	simm.s32 $0xFFFFFFFF;
	p2 =	slt.u32 s8, $0xFFFFF086  }
0x1c: {  	p1 =	slt.u32 s9, $0xF7A;
	s5 =	simm.s32 @!p2 $0x0  }
0x1d: {  	s5 =	simm.s32 @p1 $0x1;
	p0 =	seq.s32 s7, s2  }
0x1e: {  	s7 =	smul.u32 @!p0 $0xF7A, s2;
	p2 =	seq.s32 @!p0 s5, $0x0  }
0x1f: {  	s9 =	smul.u32 $0xF7A, s1;
	s8 =	simm.s32 @!p0 $0x1BF5;
	p2 =	por !p2, p0  }
0x20: {  	[sflag:s8] =	ssyncset.s32 @!p0 $0xFFFFF086;
	s6 =	sadd.s32 @!p0 s3, s7;
	s7 =	simm.s32 @!p0 $0x108  }
0x21: {  	s3 =	sadd.s32 s3, s9;
	s6 =	sadd.s32 @!p0 $0x88, s6;
	s7 =	simm.s32 @p2 $0x1082  }
0x22: {  	[simem:s7], [sflag:s8] =	dma.local @!p0 [hbm:s6], $0xF7A  }
0x23: {  	s9 =	sor.u32 $0xD0000000, s2;
	s6 =	simm.s32 $0x108;
	_ =	swait.ge @!p0 [sflag:s8], $0x0  }
0x24: {  	s3 =	sadd.s32 $0x88, s3;
	s6 =	simm.s32 @!p1 $0x1082;
	[sflag:s4] =	ssyncset.s32 $0xFFFFF086  }
0x25: {  	[simem:s6], [sflag:s4] =	dma.local [hbm:s3], $0xF7A  }
0x26: {  	[smem:$0x3F85] =	sst s1;
	(tag) =	ssettag s2;
	_ =	strace s9  }
0x27: {  	s1 =	sld [smem:$0x3F95]  }
0x28: {  	s2 =	sld [smem:$0x3F96]  }
0x29: {  	s4 =	sld [smem:$0x3F98]  }
0x2a: {  	p0 =	seq.s32 s5, $0x0;
	s5 =	sld [smem:$0x3F99]  }
0x2b: {  	s6 =	sld [smem:$0x3F9A]  }
0x2c: {  	s7 =	sld [smem:$0x3F9B]  }
0x2d: {  	s3 =	simm.s32 $0x108;
	s8 =	sld [smem:$0x3F9C]  }
0x2e: {  	s3 =	simm.s32 @!p0 $0x1082;
	s9 =	sld [smem:$0x3F9D]  }
0x2f: {  	lr =	sadd.s32 s0, s3;
	s0 =	sld [smem:$0x3F94]  }
0x30: {  	s3 =	sld [smem:$0x3F97]  }
0x31: {  	[smem:$0x3FA0] =	sst s10  }
0x32: {  	s10 =	sld [smem:$0x3F9E];
	_ =	sdelay $0x3  }
0x33: {  	p0 =	seq.s32 s10, $0x1;
	s10 =	sld [smem:$0x3FA0];
	_ =	sdelay $0x3  }
0x34: {  	[smem:$0x3FA0] =	sst s10  }
0x35: {  	s10 =	sld [smem:$0x3F9F];
	_ =	sdelay $0x3  }
0x36: {  	p1 =	seq.s32 s10, $0x1;
	s10 =	sld [smem:$0x3FA0];
	_ =	sdelay $0x3  }
0x37: {  	[smem:$0x3FA0] =	sst s10  }
0x38: {  	s10 =	sld [smem:$0x3FA1]  }
0x39: {  	_ = 	snop;
	(pc) =	sbr.ind lr, $3  }
0x3a: {  	_ = 	snop  }
0x3b: {  	_ = 	snop  }
0x3c: {  	p2 =	seq.s32 s10, $0x1;
	s10 =	sld [smem:$0x3FA0]  }
0x3d: {  	_ =	shalt  }
0x3e: {  	_ =	shalt  }
0x3f: {  	_ =	shalt  }
0x40: {  	_ =	shalt  }
0x41: {  	_ =	shalt  }
0x42: {  	_ =	shalt  }
0x43: {  	_ =	shalt  }
0x44: {  	_ =	shalt  }
0x45: {  	_ =	shalt  }
0x46: {  	_ =	shalt  }
0x47: {  	_ =	shalt  }
0x48: {  	_ =	shalt  }
0x49: {  	_ =	shalt  }
0x4a: {  	_ =	shalt  }
0x4b: {  	_ =	shalt  }
0x4c: {  	_ =	shalt  }
0x4d: {  	_ =	shalt  }
0x4e: {  	_ =	shalt  }
0x4f: {  	_ =	shalt  }
0x50: {  	_ =	shalt  }
0x51: {  	_ =	shalt  }
0x52: {  	_ =	shalt  }
0x53: {  	_ =	shalt  }
0x54: {  	_ =	shalt  }
0x55: {  	_ =	shalt  }
0x56: {  	_ =	shalt  }
0x57: {  	_ =	shalt  }
0x58: {  	_ =	shalt  }
0x59: {  	_ =	shalt  }
0x5a: {  	_ =	shalt  }
0x5b: {  	_ =	shalt  }
0x5c: {  	_ =	shalt  }
0x5d: {  	_ =	shalt  }
0x5e: {  	_ =	shalt  }
0x5f: {  	_ =	shalt  }
0x60: {  	_ =	shalt  }
0x61: {  	_ =	shalt  }
0x62: {  	_ =	shalt  }
0x63: {  	_ =	shalt  }
0x64: {  	_ =	shalt  }
0x65: {  	_ =	shalt  }
0x66: {  	_ =	shalt  }
0x67: {  	_ =	shalt  }
0x68: {  	_ =	shalt  }
0x69: {  	_ =	shalt  }
0x6a: {  	_ =	shalt  }
0x6b: {  	_ =	shalt  }
0x6c: {  	_ =	shalt  }
0x6d: {  	_ =	shalt  }
0x6e: {  	_ =	shalt  }
0x6f: {  	_ =	shalt  }
0x70: {  	_ =	shalt  }
0x71: {  	_ =	shalt  }
0x72: {  	_ =	shalt  }
0x73: {  	_ =	shalt  }
0x74: {  	_ =	shalt  }
0x75: {  	_ =	shalt  }
0x76: {  	_ =	shalt  }
0x77: {  	_ =	shalt  }
0x78: {  	_ =	shalt  }
0x79: {  	_ =	shalt  }
0x7a: {  	_ =	shalt  }
0x7b: {  	_ =	shalt  }
0x7c: {  	_ =	shalt  }
0x7d: {  	_ =	shalt  }
0x7e: {  	_ =	shalt  }
0x7f: {  	_ =	shalt  }
0x80: {  	_ =	shalt  }
0x81: {  	_ =	shalt  }
0x82: {  	_ =	shalt  }
0x83: {  	_ =	shalt  }
0x84: {  	_ =	shalt  }
0x85: {  	_ =	shalt  }
0x86: {  	_ =	shalt  }
0x87: {  	_ =	shalt  }
.Lfunc_end0:
.L_simem_size_0:
called_computation.3_lowered:
.L_overlay_start_0:
0x88: {  	s2 =	sld [smem:$0x3FD9]  }
0x89: {  	s3 =	sld [smem:$0x3FFE];
	_ =	sdelay $0x1  }
0x8a: {  	s1 =	srdreg.scid  }
0x8b: {  	s0 =	sand.u32 $0x1, s1  }
0x8c: {  	s17 =	sshll.u32 s0, $0xA;
	s2 =	sadd.s32 s3, s2  }
0x8d: {  	s2 =	sadd.s32 s2, s17  }
0x8e: {  	[smem:$0x3FAC] =	sst s2  }
0x8f: {  	_ = 	snop  }
0x90: {  	s2 =	sld [smem:$0x3FD0];
	(tm) =	ssettm $0x1  }
0x91: {  	s18 =	sld [smem:$0x3FFB];
	_ =	sdelay $0x3  }
0x92: {  	_ =	strace s18  }
0x93: {  	s3 =	sld [smem:$0x3FFC];
	_ =	sdelay $0x3  }
0x94: {  	_ =	strace s3  }
0x95: {  	s3 =	sld [smem:$0x3FFD];
	_ =	sdelay $0x3  }
0x96: {  	_ =	strace s3  }
0x97: {  	_ =	strace $0x8FFFFFFF  }
0x98: {  	s19 =	sld [smem:$0x3FDB];
	_ =	sdelay $0x1  }
0x99: {  	s4 =	simm.s32 $_scs_section_size  }
0x9a: {  	s5 =	simm.s32 $_size__tile_overlayer_lowered;
	s6 =	simm.s32 $_tile_overlayer_lowered  }
0x9b: {  	s22 =	simm.s32 $0x1BFF;
	s21 =	sshll.u32 s6, $0x1;
	s3 =	sadd.s32 s4, s19  }
0x9c: {  	s7 =	simm.s32 $0x0;
	s20 =	sshll.u32 s5, $0x1;
	s5 =	sadd.s32 s21, s3  }
0x9d: {  	[timem:s7], [sflag:s22] =	dma.local [hbm:s5], s20  }
0x9e: {  	_ =	swait.ge [sflag:s22], s20  }
0x9f: {  	s4 =	ssub.s32 $0x0, s20;
	[sflag:s22] =	ssyncset.done $0x0  }
0xa0: {  	[sflag:s22] =	ssyncadd.s32 s4;
	_ =	sdelay $0x1  }
0xa1: {  	s23 =	simm.s32 $0x1B8B  }
0xa2: {  	_ =	swait.ge [sflag:s23], $0x1  }
0xa3: {  	[sflag:s23] =	ssyncset.done $0x0  }
0xa4: {  	s25 =	simm.s32 $0x1B8E;
	s24 =	sld [smem:$0x3FFE];
	[sflag:s23] =	ssyncadd.s32 $0xFFFFFFFF  }
0xa5: {  	s26 =	simm.s32 $execute0_lowered;
	[smem:$0x3FD2] =	sst s25  }
0xa6: {  	s5 =	sshll.u32 s26, $0x1;
	_ =	strace $0x8000004F;
	[dreg:$0x1] =	wrdreg $0xFFFFFFFF  }
0xa7: {  	s28 =	simm.s32 $_size_execute0_lowered;
	s3 =	sadd.s32 s3, s5;
	[dreg:$0x0] =	wrdreg $0x0  }
0xa8: {  	s5 =	sshll.u32 s28, $0x1;
	[dreg:$0x2] =	wrdreg s3  }
0xa9: {  	[dreg:$0x3] =	wrdreg s5  }
0xaa: {  	[dreg:$0x4] =	wrdreg $0xC0  }
0xab: {  	_ =	task [dreg:s7], $0x5FFFF  }
0xac: {  	[dreg:$0x1] =	wrdreg $0xFFFFFFFF  }
0xad: {  	[dreg:$0x0] =	wrdreg $0x60  }
0xae: {  	[dreg:$0x2] =	wrdreg s24  }
0xaf: {  	[dreg:$0x3] =	wrdreg s2  }
0xb0: {  	[dreg:$0x4] =	wrdreg $0x58000  }
0xb1: {  	[dreg:$0x5] =	wrdreg $0x9  }
0xb2: {  	_ =	task.clear_ibuf [dreg:s7], $0x6FFFF;
	_ =	strace $0x9000004F  }
0xb3: {  	s29 =	simm.s32 $0x9;
	_ =	strace $0x80000051  }
0xb4: {  	_ =	swait.ge [sflag:s29], $0x1  }
0xb5: {  	[sflag:s29] =	ssyncadd.s32 $0xFFFFFFFF  }
0xb6: {  	_ =	strace $0x90000051  }
0xb7: {  	_ =	sfence  }
0xb8: {  	s30 =	sld [smem:$0x0];
	_ =	sdelay $0x2  }
0xb9: {  	s31 =	sshll.u32 s1, $0xD;
	s1 =	sshrl.u32 s1, $0x2  }
0xba: {  	s3 =	sand.u32 $0x4000, s31;
	s1 =	sadd.s32 s1, s30  }
0xbb: {  	s0 =	sor.u32 s3, s0;
	s1 =	sshll.u32 s1, $0x11  }
0xbc: {  	s0 =	sor.u32 s1, s0  }
0xbd: {  	s0 =	sadd.s32 $0x8F2B, s0  }
0xbe: {  	[sflag:s0] =	ssyncadd.remote.s32 $0x1  }
0xbf: {  	_ =	sfence.sel $0xFFFF  }
0xc0: {  	[dreg:$0x0] =	wrdreg $0xFFFFFFFF;
	(pc) =	sbr.abs _section_cstart, $3  }
0xc1: {  	[dreg:$0x1] =	wrdreg $0xFFFFFFFF  }
0xc2: {  	_ =	task.clear_ibuf [dreg:s7], $0x2FFFF;
	_ =	strace $0x9FFFFFFF  }
0xc3: {  	(tm) =	ssettm $0x7FFFFFFF  }
tec
execute0_lowered:
.L_overlay_start_1:
0x0: {  	(tag) =	ssettag $0x1  }
0x1: {  	s6 =	rddreg [dreg:$0x0]  }
0x2: {  	s2 =	rddreg [dreg:$0x1]  }
0x3: {  	s3 =	rddreg [dreg:$0x2];
	s4 =	srdreg.scid  }
0x4: {  	s1 =	stileid.u32;
	s0 =	rddreg [dreg:$0x3];
	s14 =	simm.s32 $0x100  }
0x5: {  	s15 =	simm.s32 $0x2800;
	s16 =	simm.s32 $0x1;
	s17 =	simm.s32 $0x0  }
0x6: {  	s7 =	sand.u32 $0x1, s4;
	s8 =	smul.u32 $0x7800, s1;
	s4 =	simm.s32 $0x0  }
0x7: {  	s12 =	sshll.u32 s1, $0x6;
	s5 =	sshll.u32 s7, $0x4;
	s9 =	smul.u32 $0x78000, s7  }
0x8: {  	[smem:$0x7FF] =	sst s4;
	s7 =	ssub.s32 $0x2, s7;
	s12 =	sor.u32 $0x1C02, s12  }
0x9: {  	s5 =	sor.u32 s1, s5;
	_ =	strace $0x80000050;
	s31 =	sshrl.u32 s7, $0x1  }
0xa: {  	s13 =	sadd.s32 s8, s3;
	s10 =	smul.u32 $0x280, s5;
	s9 =	sadd.s32 s8, s9  }
0xb: {  	s5 =	sadd.s32 $0xD400, s6;
	s11 =	ssub.s32 s7, s31;
	s9 =	sshrl.u32 s9, $0x3  }
0xc: {  	s13 =	sshrl.u32 s13, $0x3;
	s10 =	sadd.s32 s10, s6;
	s9 =	sadd.s32 s9, s6  }
0xd: {  	s6 =	sadd.s32 $0x5DC00, s10;
	s7 =	sadd.s32 $0x8400, s10;
	s8 =	sadd.s32 $0x1C400, s9  }
0xe: {  	s9 =	smax.u32 s11, $0x1;
	s10 =	simm.s32 $0x2;
	s11 =	simm.s32 $0x1400  }
.LBB2_1:
0xf: {  	[tilespmem:s4], [sflag:$0x2] =	stream.linear.gather [hbm4b:s6+s4], $0x1400, $0x38;
	[tilespmem:$0xD000] =	vst v63  }
0x10: {  	_ =	swait.ge [sflag:s10], $0x1400  }
0x11: {  	[sflag:s10] =	ssyncset.done $0x0  }
0x12: {  	[sflag:s10] =	ssyncadd.s32 $0xFFFFEC00  }
0x13: {  	[tilespmem:s11], [sflag:$0x2] =	stream.linear.gather [hbm4b:s7+s4], $0x1400, $0x38;
	[tilespmem:$0xD000] =	vst v63  }
0x14: {  	_ =	swait.ge [sflag:s10], $0x1400  }
0x15: {  	[sflag:s10] =	ssyncset.done $0x0  }
0x16: {  	[sflag:s10] =	ssyncadd.s32 $0xFFFFEC00  }
0x17: {  	[spmem:s13], [sflag:s12] =	dma.local [hbm:s2], $0xF00  }
0x18: {  	_ =	swait.ge [sflag:s10], $0xF00  }
0x19: {  	[sflag:s10] =	ssyncset.done $0x0  }
0x1a: {  	[sflag:s10] =	ssyncadd.s32 $0xFFFFF100  }
0x1b: {  	s18 =	simm.s32 $0x0;
	[bflag:$0x0] =	sbarrier.arrive $0xFFFF  }
0x1c: {  	[tilespmem:s15], [sflag:$0x1] =	stream.indirect.gather [hbm4b:s5+s14], $0x30, s18, s14, $0xb8;
	[tilespmem:$0xD000] =	vst v63  }
0x1d: {  	_ =	swait.ge [sflag:s16], $0x3000  }
0x1e: {  	[sflag:s16] =	ssyncset.done $0x0  }
0x1f: {  	s31 =	simm.s32 $0x1400;
	[sflag:s16] =	ssyncadd.s32 $0xFFFFD000  }
0x20: {  	[spmem:s3] =	stream.indirect.scatter.add.f32 [tilespmem:s15], [sflag:$0x2], $0x30, s31, s14, $0xb8;
	[tilespmem:$0xD000] =	vst v63  }
0x21: {  	_ =	swait.ge [sflag:s10], $0x3000  }
0x22: {  	s19 =	simm.s32 $0x800;
	s18 =	simm.s32 $0x400;
	[sflag:s10] =	ssyncset.done $0x0  }
.LBB2_2:
0x23: {  	s20 =	sshra.s32 s18, $0x2  }
0x24: {  	[sflag:s10] =	ssyncadd.s32 $0xFFFFD000;
	s18 =	smov.u32 s19;
	s21 =	sadd.s32 $0x400, s19  }
0x25: {  	[tilespmem:s15], [sflag:$0x1] =	stream.indirect.gather [hbm4b:s5+s14], $0x30, s20, s14, $0xb8;
	[tilespmem:$0xD000] =	vst v63  }
0x26: {  	p0 =	sne.s32 s19, $0x4C00;
	_ =	swait.ge [sflag:s16], $0x3000  }
.Ltmp0:
0x27: {  	[sflag:s16] =	ssyncset.done $0x0;
	(pc) =	sbr.rel @p0 .LBB2_2-.Ltmp0, $4  }
0x28: {  	s19 =	sadd.s32 $0x1400, s20;
	[sflag:s16] =	ssyncadd.s32 $0xFFFFD000  }
0x29: {  	[spmem:s3] =	stream.indirect.scatter.add.f32 [tilespmem:s15], [sflag:$0x2], $0x30, s19, s14, $0xb8;
	[tilespmem:$0xD000] =	vst v63  }
0x2a: {  	_ =	swait.ge [sflag:s10], $0x3000  }
0x2b: {  	s19 =	smov.u32 s21;
	[sflag:s10] =	ssyncset.done $0x0  }
0x2c: {  	s18 =	sshra.s32 s18, $0x2;
	[sflag:s10] =	ssyncadd.s32 $0xFFFFD000  }
0x2d: {  	[tilespmem:s15], [sflag:$0x1] =	stream.indirect.gather [hbm4b:s5+s14], $0x30, s18, s14, $0xb8;
	[tilespmem:$0xD000] =	vst v63  }
0x2e: {  	_ =	swait.ge [sflag:s16], $0x3000  }
0x2f: {  	[sflag:s16] =	ssyncset.done $0x0  }
0x30: {  	s18 =	sadd.s32 $0x1400, s18;
	[sflag:s16] =	ssyncadd.s32 $0xFFFFD000  }
0x31: {  	[spmem:s3] =	stream.indirect.scatter.add.f32 [tilespmem:s15], [sflag:$0x2], $0x30, s18, s14, $0xb8;
	[tilespmem:$0xD000] =	vst v63  }
0x32: {  	_ =	swait.ge [sflag:s10], $0x3000  }
0x33: {  	s17 =	sadd.s32 $0x1, s17;
	[sflag:s10] =	ssyncset.done $0x0  }
0x34: {  	p0 =	sne.s32 s17, s9;
	[sflag:s10] =	ssyncadd.s32 $0xFFFFD000  }
.Ltmp1:
0x35: {  	[bflag:$0x0] =	sbarrier.arrive $0xFFFF;
	(pc) =	sbr.rel @p0 .LBB2_1-.Ltmp1, $4  }
0x36: {  	[hbm:s8], [sflag:s12] =	dma.local [spmem:s13], $0xF00  }
0x37: {  	_ =	swait.ge [sflag:s10], $0xF00  }
0x38: {  	[sflag:s10] =	ssyncset.done $0x0  }
0x39: {  	[sflag:s10] =	ssyncadd.s32 $0xFFFFF100  }
0x3a: {  	_ =	sfence.sel $0x180000  }
0x3b: {  	[bflag:$0x0] =	sbarrier.arrive $0xFFFF  }
0x3c: {  	p0 =	sne.s32 s1, $0x0;
	_ =	strace $0x90000050  }
0x3d: {  	s0 =	sadd.s32 @!p0 $0x100000, s0;
	[bflag:$0x2] =	sbarrier.arrive $0xFFFF  }
0x3e: {  	[sflag:s0] =	ssyncadd.tile.s32 @!p0 $0x1;
	_ =	shalt  }
.Lfunc_end2:
_tile_overlayer_lowered:
.L_overlay_start_2:
0x3f: {  	(tag) =	ssettag $0x2  }
0x40: {  	s0 =	rddreg [dreg:$0x0];
	s2 =	stileid.u32  }
0x41: {  	s1 =	rddreg [dreg:$0x1];
	p0 =	sne.s32 s2, $0x0  }
0x42: {  	s3 =	rddreg [dreg:$0x2];
	[bflag:$0x3] =	sbarrier.arrive $0xFFFF;
	s2 =	simm.s32 @!p0 $0x1C02  }
0x43: {  	[timem:s3], [sflag:s2] =	dma.local @!p0 [hbm:s0], s1  }
0x44: {  	s0 =	simm.s32 @!p0 $0x2  }
0x45: {  	_ =	swait.ge @!p0 [sflag:s0], s1  }
0x46: {  	s1 =	ssub.s32 @!p0 $0x0, s1;
	[sflag:s0] =	ssyncset.done @!p0 $0x0  }
0x47: {  	[sflag:s0] =	ssyncadd.s32 @!p0 s1  }
0x48: {  	[bflag:$0x3] =	sbarrier.arrive $0xFFFF  }
0x49: {  	_ =	shalt  }

</sc_bundles>
